<compile_context>
chip_gen: v7x
topology: tpu7x:2x2x1
jax: 0.10.2.dev20260603
libtpu: 0.0.44.dev20260713+nightly
codegen_flags: <defaults>
</compile_context>

<pallas_src>
import functools

import jax
import jax.numpy as jnp
from jax import lax
from jax.experimental import pallas as pl
from jax.experimental.pallas import tpu as pltpu
from jax.experimental.pallas import tpu_sc as plsc

N = 8192
D = 128
H = 8
DH = 16
KNN_K = 32
TOPK = KNN_K + 1
TAU_NEG = 0.6
BETA = 1.5
FFN = 192
EPS = 1e-5

BQ = 128
CS = 64
NCH = N // CS
CAP = 8
NCAND = NCH * CAP
IDX_MASK = CS - 1
INT_BIG = 0x7FFFFFFF

BT = 128
BR = 1024


def _rne_bf16(x):
    u = lax.bitcast_convert_type(x, jnp.int32)
    t = u + 0x7FFF + jnp.bitwise_and(lax.shift_right_logical(u, 16), 1)
    return lax.bitcast_convert_type(jnp.bitwise_and(t, -65536), jnp.float32)


def _knn_body(xc_ref, xr_ref, yc_ref, yr_ref, idx_ref, cand_ref):
    q0 = pl.program_id(0) * BQ
    xq = xr_ref[:, pl.ds(q0, BQ)]
    yq = yr_ref[:, pl.ds(q0, BQ)]
    sqq = xq * xq + yq * yq
    xqb = _rne_bf16(xq)
    yqb = _rne_bf16(yq)

    def chunk_body(c, carry):
        r0 = pl.multiple_of(c * CS, CS)
        xc = xc_ref[pl.ds(r0, CS), :]
        yc = yc_ref[pl.ds(r0, CS), :]
        sqc = xc * xc + yc * yc
        dot = _rne_bf16(xc) * xqb + _rne_bf16(yc) * yqb
        d2 = sqc + sqq - 2.0 * dot
        d2 = jnp.maximum(d2, 0.0)
        pb = lax.bitcast_convert_type(d2, jnp.int32)
        riota = lax.broadcasted_iota(jnp.int32, (CS, BQ), 0)
        pd = jnp.bitwise_or(jnp.bitwise_and(pb, jnp.int32(~IDX_MASK)), riota)
        rows = []
        for _ in range(CAP):
            m = jnp.min(pd, axis=0, keepdims=True)
            rows.append(m)
            pd = jnp.where(pd == m, INT_BIG, pd)
        cand_ref[pl.ds(pl.multiple_of(c * CAP, CAP), CAP), :] = (
            jnp.concatenate(rows, axis=0))
        return carry

    lax.fori_loop(0, NCH, chunk_body, 0)

    oiota = lax.broadcasted_iota(jnp.int32, (TOPK, BQ), 0)

    cand0 = cand_ref[...]
    riota0 = lax.broadcasted_iota(jnp.int32, (NCAND, BQ), 0)
    gid0 = (lax.shift_right_logical(riota0, 3) * CS
            + jnp.bitwise_and(cand0, jnp.int32(IDX_MASK)))
    zero0 = jnp.bitwise_and(cand0, jnp.int32(~IDX_MASK)) == 0
    cand_ref[...] = jnp.where(zero0, gid0, cand0)

    def sel_body(t, carry):
        cand = cand_ref[...]
        m = jnp.min(cand, axis=0, keepdims=True)
        riota = lax.broadcasted_iota(jnp.int32, (NCAND, BQ), 0)
        hit = cand == m
        rwin = jnp.min(jnp.where(hit, riota, INT_BIG), axis=0,
                       keepdims=True)
        cand_ref[...] = jnp.where(riota == rwin, INT_BIG, cand)
        gnz = (lax.shift_right_logical(rwin, 3) * CS
               + jnp.bitwise_and(m, jnp.int32(IDX_MASK)))
        gwin = jnp.where(m < 8192, jnp.bitwise_and(m, jnp.int32(8191)), gnz)
        idx_ref[...] = jnp.where(oiota == t,
                                 jnp.broadcast_to(gwin, (TOPK, BQ)),
                                 idx_ref[...])
        return carry

    lax.fori_loop(0, TOPK, sel_body, 0)


def _qkv_body(f_ref, wq_ref, wk_ref, wv_ref, q_ref, k_ref, v_ref):
    f = f_ref[...]
    q_ref[...] = jnp.dot(f, wq_ref[...], preferred_element_type=jnp.float32)
    k_ref[...] = jnp.dot(f, wk_ref[...], preferred_element_type=jnp.float32)
    v_ref[...] = jnp.dot(f, wv_ref[...], preferred_element_type=jnp.float32)


def _tail_body(f_ref, q_ref, kl_ref, vl_ref, sd2_ref,
               wo_ref, bo_ref, l1w_ref, l1b_ref,
               w1_ref, b1_ref, w2_ref, b2_ref, l2w_ref, l2b_ref, o_ref):
    K3 = kl_ref[...].reshape(BT, KNN_K, D)
    V3 = vl_ref[...].reshape(BT, KNN_K, D)
    Qb = q_ref[...]
    sdb = jnp.sqrt(sd2_ref[...])
    prod = (K3 * Qb[:, None, :]).reshape(BT * KNN_K, D)
    ci = lax.broadcasted_iota(jnp.int32, (D, D), 1)
    ri = lax.broadcasted_iota(jnp.int32, (D, D), 0)
    sel = (lax.shift_right_logical(ri, 4)
           == lax.shift_right_logical(ci, 4)).astype(jnp.float32)
    raw3 = (jnp.dot(prod, sel, preferred_element_type=jnp.float32)
            .reshape(BT, KNN_K, D)) * (1.0 / (DH ** 0.5))
    hc = lax.shift_right_logical(
        lax.broadcasted_iota(jnp.int32, (1, 1, D), 2), 4)
    scal = lax.bitcast_convert_type(
        lax.shift_left(126 - hc, 23), jnp.float32)
    sc3 = sdb[:, :, None] * scal
    a = raw3 - sc3
    am = jnp.max(a, axis=1, keepdims=True)
    ea = jnp.exp(a - am)
    pos = ea / jnp.sum(ea, axis=1, keepdims=True)
    b = (-raw3 - sc3) / TAU_NEG
    bm = jnp.max(b, axis=1, keepdims=True)
    eb = jnp.exp(b - bm)
    neg = eb / jnp.sum(eb, axis=1, keepdims=True)
    w3 = pos - BETA * neg
    att = jnp.sum(V3 * w3, axis=1)
    x = (jnp.dot(att, wo_ref[...], preferred_element_type=jnp.float32)
         + bo_ref[...] + f_ref[...])
    mu = jnp.mean(x, axis=1, keepdims=True)
    var = jnp.mean((x - mu) ** 2, axis=1, keepdims=True)
    xn = (x - mu) / jnp.sqrt(var + EPS) * l1w_ref[...] + l1b_ref[...]
    hfc = jnp.dot(xn, w1_ref[...], preferred_element_type=jnp.float32) + b1_ref[...]
    g = 0.5 * hfc * (1.0 + lax.erf(hfc * (2.0 ** -0.5)))
    f2 = jnp.dot(g, w2_ref[...], preferred_element_type=jnp.float32) + b2_ref[...]
    y = f2 + xn
    mu2 = jnp.mean(y, axis=1, keepdims=True)
    var2 = jnp.mean((y - mu2) ** 2, axis=1, keepdims=True)
    o_ref[...] = (y - mu2) / jnp.sqrt(var2 + EPS) * l2w_ref[...] + l2b_ref[...]


_GROWS = N * KNN_K
_NW = 32
_RPW = _GROWS // _NW
_GCH = 128
_NGCH = _RPW // _GCH


def _sc_gather_body(k_hbm, v_hbm, x_hbm, y_hbm, idx_hbm,
                    kl_hbm, vl_hbm, sd2_hbm,
                    idx_v, kbuf, vbuf, xbuf, ybuf, d2buf,
                    sem_k, sem_v):
    wid = lax.axis_index("s") * 2 + lax.axis_index("c")
    base = wid * _RPW
    pltpu.sync_copy(x_hbm, xbuf)
    pltpu.sync_copy(y_hbm, ybuf)

    def chunk(c, carry):
        off = base + c * _GCH
        pltpu.sync_copy(idx_hbm.at[pl.ds(off, _GCH)], idx_v)
        ck = pltpu.async_copy(k_hbm.at[idx_v], kbuf, sem_k)
        cv = pltpu.async_copy(v_hbm.at[idx_v], vbuf, sem_v)

        def lane(j, carry2):
            idxv = idx_v[pl.ds(j * 16, 16)]
            qidx = lax.shift_right_logical(
                off + j * 16 + lax.iota(jnp.int32, 16), 5)
            ih = lax.shift_right_logical(idxv, 7)
            il = jnp.bitwise_and(idxv, 127)
            qh = lax.shift_right_logical(qidx, 7)
            ql = jnp.bitwise_and(qidx, 127)
            xg = plsc.load_gather(xbuf, [ih, il])
            yg = plsc.load_gather(ybuf, [ih, il])
            xq = plsc.load_gather(xbuf, [qh, ql])
            yq = plsc.load_gather(ybuf, [qh, ql])
            dx = xq - xg
            dy = yq - yg
            d2buf[pl.ds(j * 16, 16)] = dx * dx + dy * dy
            return carry2

        lax.fori_loop(0, _GCH // 16, lane, 0)
        pltpu.sync_copy(d2buf, sd2_hbm.at[pl.ds(off, _GCH)])
        ck.wait()
        cv.wait()
        pltpu.sync_copy(kbuf, kl_hbm.at[pl.ds(off, _GCH)])
        pltpu.sync_copy(vbuf, vl_hbm.at[pl.ds(off, _GCH)])
        return carry

    lax.fori_loop(0, _NGCH, chunk, 0)


@functools.lru_cache(maxsize=1)
def _make_sc_gather():
    return pl.kernel(
        _sc_gather_body,
        out_type=(jax.ShapeDtypeStruct((_GROWS, D), jnp.float32),
                  jax.ShapeDtypeStruct((_GROWS, D), jnp.float32),
                  jax.ShapeDtypeStruct((_GROWS,), jnp.float32)),
        mesh=plsc.VectorSubcoreMesh(core_axis_name="c", subcore_axis_name="s"),
        compiler_params=pltpu.CompilerParams(needs_layout_passes=False),
        scratch_types=[
            pltpu.VMEM((_GCH,), jnp.int32),
            pltpu.VMEM((_GCH, D), jnp.float32),
            pltpu.VMEM((_GCH, D), jnp.float32),
            pltpu.VMEM((N // 128, 128), jnp.float32),
            pltpu.VMEM((N // 128, 128), jnp.float32),
            pltpu.VMEM((_GCH,), jnp.float32),
            pltpu.SemaphoreType.DMA,
            pltpu.SemaphoreType.DMA,
        ],
    )


def _sc_gather(k, v, x, y, idx):
    return _make_sc_gather()(k, v, x, y, idx)


def kernel(features, coords, Wq, Wk, Wv, Wo, bo, ln1_w, ln1_b,
           W1, b1, W2, b2, ln2_w, ln2_b):
    xc = coords[:, 0:1]
    yc = coords[:, 1:2]
    xr = coords[:, 0].reshape(1, N)
    yr = coords[:, 1].reshape(1, N)

    idx33 = pl.pallas_call(
        _knn_body,
        grid=(N // BQ,),
        in_specs=[
            pl.BlockSpec((N, 1), lambda i: (0, 0)),
            pl.BlockSpec((1, N), lambda i: (0, 0)),
            pl.BlockSpec((N, 1), lambda i: (0, 0)),
            pl.BlockSpec((1, N), lambda i: (0, 0)),
        ],
        out_specs=pl.BlockSpec((TOPK, BQ), lambda i: (0, i)),
        out_shape=jax.ShapeDtypeStruct((TOPK, N), jnp.int32),
        scratch_shapes=[pltpu.VMEM((NCAND, BQ), jnp.int32)],
    )(xc, xr, yc, yr)

    knn = idx33.T[:, 1:]

    q, k, v = pl.pallas_call(
        _qkv_body,
        grid=(N // BR,),
        in_specs=[
            pl.BlockSpec((BR, D), lambda i: (i, 0)),
            pl.BlockSpec((D, D), lambda i: (0, 0)),
            pl.BlockSpec((D, D), lambda i: (0, 0)),
            pl.BlockSpec((D, D), lambda i: (0, 0)),
        ],
        out_specs=[pl.BlockSpec((BR, D), lambda i: (i, 0))] * 3,
        out_shape=[jax.ShapeDtypeStruct((N, D), jnp.float32)] * 3,
    )(features, Wq.T, Wk.T, Wv.T)

    kl, vl, sd2 = _sc_gather(k, v,
                             coords[:, 0].reshape(N // 128, 128),
                             coords[:, 1].reshape(N // 128, 128),
                             knn.reshape(-1))
    sd2 = sd2.reshape(N, KNN_K)

    out = pl.pallas_call(
        _tail_body,
        grid=(N // BT,),
        in_specs=[
            pl.BlockSpec((BT, D), lambda i: (i, 0)),
            pl.BlockSpec((BT, D), lambda i: (i, 0)),
            pl.BlockSpec((BT * KNN_K, D), lambda i: (i, 0)),
            pl.BlockSpec((BT * KNN_K, D), lambda i: (i, 0)),
            pl.BlockSpec((BT, KNN_K), lambda i: (i, 0)),
            pl.BlockSpec((D, D), lambda i: (0, 0)),
            pl.BlockSpec((1, D), lambda i: (0, 0)),
            pl.BlockSpec((1, D), lambda i: (0, 0)),
            pl.BlockSpec((1, D), lambda i: (0, 0)),
            pl.BlockSpec((D, FFN), lambda i: (0, 0)),
            pl.BlockSpec((1, FFN), lambda i: (0, 0)),
            pl.BlockSpec((FFN, D), lambda i: (0, 0)),
            pl.BlockSpec((1, D), lambda i: (0, 0)),
            pl.BlockSpec((1, D), lambda i: (0, 0)),
            pl.BlockSpec((1, D), lambda i: (0, 0)),
        ],
        out_specs=pl.BlockSpec((BT, D), lambda i: (i, 0)),
        out_shape=jax.ShapeDtypeStruct((N, D), jnp.float32),
    )(features, q, kl, vl, sd2,
      Wo.T, bo.reshape(1, D), ln1_w.reshape(1, D), ln1_b.reshape(1, D),
      W1.T, b1.reshape(1, FFN), W2.T, b2.reshape(1, D),
      ln2_w.reshape(1, D), ln2_b.reshape(1, D))
    return out

# --- scband reference (transcript-rebuilt; emitter-appended) ---
"""Pipeline reference for scband-local-knnfeast-block-66133906424006 (READ-ONLY COPY).

The authoritative reference and input builder live on the scoring server;
editing this copy changes nothing except your own understanding.
"""

import jax, jax.numpy as jnp
import numpy as np

N = 8192
D = 128
H = 8
DH = 16
KNN = 32
TAU_NEG = 0.6
BETA = 1.5
FFN = 192
EPS = 1e-5


def _layer_norm(x, w, b):
    mu = jnp.mean(x, axis=-1, keepdims=True)
    var = jnp.mean((x - mu) ** 2, axis=-1, keepdims=True)
    return (x - mu) / jnp.sqrt(var + EPS) * w + b


def setup_inputs(seed: int = 0) -> dict:
    key = jax.random.key(seed)
    ks = jax.random.split(key, 10)
    s = 1.0 / np.sqrt(D)
    return {
        "features": jax.random.normal(ks[0], (N, D), dtype=jnp.float32),
        "coords": jax.random.uniform(ks[1], (N, 2), dtype=jnp.float32) * 100.0,
        "Wq": jax.random.normal(ks[2], (D, D), dtype=jnp.float32) * s,
        "Wk": jax.random.normal(ks[3], (D, D), dtype=jnp.float32) * s,
        "Wv": jax.random.normal(ks[4], (D, D), dtype=jnp.float32) * s,
        "Wo": jax.random.normal(ks[5], (D, D), dtype=jnp.float32) * s,
        "bo": jnp.zeros((D,), dtype=jnp.float32),
        "ln1_w": jnp.ones((D,), dtype=jnp.float32),
        "ln1_b": jnp.zeros((D,), dtype=jnp.float32),
        "W1": jax.random.normal(ks[6], (FFN, D), dtype=jnp.float32) * s,
        "b1": jnp.zeros((FFN,), dtype=jnp.float32),
        "W2": jax.random.normal(ks[7], (D, FFN), dtype=jnp.float32) * (1.0 / np.sqrt(FFN)),
        "b2": jnp.zeros((D,), dtype=jnp.float32),
        "ln2_w": jnp.ones((D,), dtype=jnp.float32),
        "ln2_b": jnp.zeros((D,), dtype=jnp.float32),
    }


def reference(features, coords, Wq, Wk, Wv, Wo, bo, ln1_w, ln1_b, W1, b1, W2, b2, ln2_w, ln2_b):
    n = features.shape[0]
    # KNN over spatial coords (equivalent to barcode-parsed coordinates)
    sq = jnp.sum(coords * coords, axis=1)
    d2 = sq[:, None] + sq[None, :] - 2.0 * (coords @ coords.T)
    dist = jnp.sqrt(jnp.maximum(d2, 0.0))
    _, idx = jax.lax.top_k(-dist, KNN + 1)
    knn = idx[:, 1:]
    neighbor_coords = coords[knn]
    sd = jnp.sqrt(jnp.sum((coords[:, None, :] - neighbor_coords) ** 2, axis=2))
    Q = (features @ Wq.T).reshape(n, H, DH)
    K = (features @ Wk.T).reshape(n, H, DH)
    V = (features @ Wv.T).reshape(n, H, DH)
    K_loc = jnp.transpose(K[knn], (0, 2, 1, 3))
    V_loc = jnp.transpose(V[knn], (0, 2, 1, 3))
    raw = jnp.einsum('nhd,nhkd->nhk', Q, K_loc) / (DH ** 0.5)
    scal = jnp.array([1.0 / 2.0 ** (h + 1) for h in range(H)], dtype=features.dtype)
    sc = sd[:, None, :] * scal[None, :, None]
    pos = jax.nn.softmax(raw - sc, axis=-1)
    neg = jax.nn.softmax((-raw - sc) / TAU_NEG, axis=-1)
    w = pos - BETA * neg
    att = jnp.einsum('nhk,nhkd->nhd', w, V_loc).reshape(n, D)
    x = att @ Wo.T + bo + features
    x = _layer_norm(x, ln1_w, ln1_b)
    h = jax.nn.gelu(x @ W1.T + b1, approximate=False)
    ffn = h @ W2.T + b2
    return _layer_norm(ffn + x, ln2_w, ln2_b)

if __name__ == "__main__":
    import jax
    _d = setup_inputs()
    print(jax.jit(kernel)(*tuple(_d.values())))

</pallas_src>

<mosaic_0001>
#map = affine_map<(d0, d1) -> (0, 0)>
#map1 = affine_map<(d0, d1) -> (0)>
module attributes {stable_mosaic.version = 14 : i64} {
  func.func @_sc_gather_body(%arg0: i32, %arg1: i32, %arg2: memref<8192x128xf32, #tpu.memory_space<hbm>>, %arg3: memref<8192x128xf32, #tpu.memory_space<hbm>>, %arg4: memref<64x128xf32, #tpu.memory_space<hbm>>, %arg5: memref<64x128xf32, #tpu.memory_space<hbm>>, %arg6: memref<262144xi32, #tpu.memory_space<hbm>>, %arg7: memref<262144x128xf32, #tpu.memory_space<hbm>>, %arg8: memref<262144x128xf32, #tpu.memory_space<hbm>>, %arg9: memref<262144xf32, #tpu.memory_space<hbm>>, %arg10: memref<128xi32, #tpu.memory_space<vmem>>, %arg11: memref<128x128xf32, #tpu.memory_space<vmem>>, %arg12: memref<128x128xf32, #tpu.memory_space<vmem>>, %arg13: memref<64x128xf32, #tpu.memory_space<vmem>>, %arg14: memref<64x128xf32, #tpu.memory_space<vmem>>, %arg15: memref<128xf32, #tpu.memory_space<vmem>>, %arg16: memref<!tpu.dma_semaphore, #tpu.memory_space<semaphore_mem>>, %arg17: memref<!tpu.dma_semaphore, #tpu.memory_space<semaphore_mem>>) attributes {dimension_semantics = [#tpu.dimension_semantics<core_parallel>, #tpu.dimension_semantics<subcore_parallel>], iteration_bounds = array<i64: 2, 16>, scalar_prefetch = 0 : i64, scratch_operands = 8 : i64, tpu.core_type = #tpu.core_type<sc_vector_subcore>, window_params = [{transform_indices = #map}, {transform_indices = #map}, {transform_indices = #map}, {transform_indices = #map}, {transform_indices = #map1}, {transform_indices = #map}, {transform_indices = #map}, {transform_indices = #map1}]} {
    %mul3A = arith.constant 2 : i32
    %mul3A_0 = arith.muli %arg1, %mul3A : i32
    %add3A = arith.addi %mul3A_0, %arg0 : i32
    %mul3A_1 = arith.constant 8192 : i32
    %mul3A_2 = arith.muli %add3A, %mul3A_1 : i32
    "tpu.region"() ({
      %run_scoped3A = tpu.sem_alloc : memref<!tpu.dma_semaphore, #tpu.memory_space<semaphore_mem>>
      tpu.enqueue_dma source(%arg4 : memref<64x128xf32, #tpu.memory_space<hbm>>) target(%arg13 : memref<64x128xf32, #tpu.memory_space<vmem>>) target_semaphore(%run_scoped3A : memref<!tpu.dma_semaphore, #tpu.memory_space<semaphore_mem>>)
      tpu.wait_dma2 semaphore(%run_scoped3A : memref<!tpu.dma_semaphore, #tpu.memory_space<semaphore_mem>>) src(%arg4 : memref<64x128xf32, #tpu.memory_space<hbm>>) dst(%arg13 : memref<64x128xf32, #tpu.memory_space<vmem>>)
      tpu.yield
    }) : () -> ()
    "tpu.region"() ({
      %run_scoped3A = tpu.sem_alloc : memref<!tpu.dma_semaphore, #tpu.memory_space<semaphore_mem>>
      tpu.enqueue_dma source(%arg5 : memref<64x128xf32, #tpu.memory_space<hbm>>) target(%arg14 : memref<64x128xf32, #tpu.memory_space<vmem>>) target_semaphore(%run_scoped3A : memref<!tpu.dma_semaphore, #tpu.memory_space<semaphore_mem>>)
      tpu.wait_dma2 semaphore(%run_scoped3A : memref<!tpu.dma_semaphore, #tpu.memory_space<semaphore_mem>>) src(%arg5 : memref<64x128xf32, #tpu.memory_space<hbm>>) dst(%arg14 : memref<64x128xf32, #tpu.memory_space<vmem>>)
      tpu.yield
    }) : () -> ()
    %scan3A = arith.constant 0 : i32
    %scan3A_3 = arith.constant 0 : i32
    %scan3A_4 = arith.constant 64 : i32
    %scan3A_5 = arith.addi %scan3A_3, %scan3A_4 : i32
    %scan3A_6 = arith.constant 1 : i32
    scf.for %scan3A_8 = %scan3A_3 to %scan3A_5 step %scan3A_6  : i32 {
      %mul3A_9 = arith.constant 128 : i32
      %mul3A_10 = arith.muli %scan3A_8, %mul3A_9 : i32
      %add3A_11 = arith.addi %mul3A_2, %mul3A_10 : i32
      "tpu.region"() ({
        %run_scoped3A = tpu.sem_alloc : memref<!tpu.dma_semaphore, #tpu.memory_space<semaphore_mem>>
        %dma_start3A_28 = tpu.memref_slice %arg6[%add3A_11] : memref<262144xi32, #tpu.memory_space<hbm>> -> memref<128xi32, #tpu.memory_space<hbm>>
        %dma_start3A_29 = tpu.memref_slice %arg6[%add3A_11] : memref<262144xi32, #tpu.memory_space<hbm>> -> memref<128xi32, #tpu.memory_space<hbm>>
        tpu.enqueue_dma source(%dma_start3A_29 : memref<128xi32, #tpu.memory_space<hbm>>) target(%arg10 : memref<128xi32, #tpu.memory_space<vmem>>) target_semaphore(%run_scoped3A : memref<!tpu.dma_semaphore, #tpu.memory_space<semaphore_mem>>)
        %dma_wait3A_30 = tpu.memref_slice %arg6[%add3A_11] : memref<262144xi32, #tpu.memory_space<hbm>> -> memref<128xi32, #tpu.memory_space<hbm>>
        %dma_wait3A_31 = tpu.memref_slice %arg6[%add3A_11] : memref<262144xi32, #tpu.memory_space<hbm>> -> memref<128xi32, #tpu.memory_space<hbm>>
        tpu.wait_dma2 semaphore(%run_scoped3A : memref<!tpu.dma_semaphore, #tpu.memory_space<semaphore_mem>>) src(%dma_wait3A_31 : memref<128xi32, #tpu.memory_space<hbm>>) dst(%arg10 : memref<128xi32, #tpu.memory_space<vmem>>)
        tpu.yield
      }) : () -> ()
      %dma_start3A = arith.constant 0 : i32
      %dma_start3A_12 = arith.constant 0 : i32
      %dma_start3A_13 = tpu.memref_slice %arg2[%dma_start3A, %dma_start3A_12] : memref<8192x128xf32, #tpu.memory_space<hbm>> -> memref<8192x128xf32, #tpu.memory_space<hbm>>
      tpu.enqueue_indirect_dma source(%dma_start3A_13 : memref<8192x128xf32, #tpu.memory_space<hbm>>) target(%arg11 : memref<128x128xf32, #tpu.memory_space<vmem>>) offsets(%arg10 : memref<128xi32, #tpu.memory_space<vmem>>) semaphore(%arg16 : memref<!tpu.dma_semaphore, #tpu.memory_space<semaphore_mem>>)
      %dma_start3A_14 = arith.constant 0 : i32
      %dma_start3A_15 = arith.constant 0 : i32
      %dma_start3A_16 = tpu.memref_slice %arg3[%dma_start3A_14, %dma_start3A_15] : memref<8192x128xf32, #tpu.memory_space<hbm>> -> memref<8192x128xf32, #tpu.memory_space<hbm>>
      tpu.enqueue_indirect_dma source(%dma_start3A_16 : memref<8192x128xf32, #tpu.memory_space<hbm>>) target(%arg12 : memref<128x128xf32, #tpu.memory_space<vmem>>) offsets(%arg10 : memref<128xi32, #tpu.memory_space<vmem>>) semaphore(%arg17 : memref<!tpu.dma_semaphore, #tpu.memory_space<semaphore_mem>>)
      %scan3A_17 = arith.constant 0 : i32
      %scan3A_18 = arith.constant 0 : i32
      %scan3A_19 = arith.constant 8 : i32
      %scan3A_20 = arith.addi %scan3A_18, %scan3A_19 : i32
      %scan3A_21 = arith.constant 1 : i32
      scf.for %scan3A_28 = %scan3A_18 to %scan3A_20 step %scan3A_21  : i32 {
        %mul3A_29 = arith.constant 16 : i32
        %mul3A_30 = arith.muli %scan3A_28, %mul3A_29 : i32
        %get3A = arith.index_cast %mul3A_30 : i32 to index
        %get3A_31 = tpu.vector_load %arg10[%get3A] {strides = array<i32>} : memref<128xi32, #tpu.memory_space<vmem>>, vector<16xi32>,
        %mul3A_32 = arith.constant 16 : i32
        %mul3A_33 = arith.muli %scan3A_28, %mul3A_32 : i32
        %add3A_34 = arith.addi %add3A_11, %mul3A_33 : i32
        %iota3A = tpu.iota {dimensions = array<i32: 0>} : vector<16xi32>
        %add3A_35 = vector.broadcast %add3A_34 : i32 to vector<16xi32>
        %add3A_36 = arith.addi %add3A_35, %iota3A : vector<16xi32>
        %shift_right_logical3A = arith.constant 5 : i32
        %shift_right_logical3A_37 = vector.broadcast %shift_right_logical3A : i32 to vector<16xi32>
        %shift_right_logical3A_38 = arith.shrui %add3A_36, %shift_right_logical3A_37 : vector<16xi32>
        %shift_right_logical3A_39 = arith.constant 7 : i32
        %shift_right_logical3A_40 = vector.broadcast %shift_right_logical3A_39 : i32 to vector<16xi32>
        %shift_right_logical3A_41 = arith.shrui %get3A_31, %shift_right_logical3A_40 : vector<16xi32>
        %and3A = arith.constant 127 : i32
        %and3A_42 = vector.broadcast %and3A : i32 to vector<16xi32>
        %and3A_43 = arith.andi %get3A_31, %and3A_42 : vector<16xi32>
        %shift_right_logical3A_44 = arith.constant 7 : i32
        %shift_right_logical3A_45 = vector.broadcast %shift_right_logical3A_44 : i32 to vector<16xi32>
        %shift_right_logical3A_46 = arith.shrui %shift_right_logical3A_38, %shift_right_logical3A_45 : vector<16xi32>
        %and3A_47 = arith.constant 127 : i32
        %and3A_48 = vector.broadcast %and3A_47 : i32 to vector<16xi32>
        %and3A_49 = arith.andi %shift_right_logical3A_38, %and3A_48 : vector<16xi32>
        %gather3A = tpu.vector_load_idx %arg13[%shift_right_logical3A_41, %and3A_43] : memref<64x128xf32, #tpu.memory_space<vmem>>[vector<16xi32>, vector<16xi32>], vector<16xf32>,
        %gather3A_50 = tpu.vector_load_idx %arg14[%shift_right_logical3A_41, %and3A_43] : memref<64x128xf32, #tpu.memory_space<vmem>>[vector<16xi32>, vector<16xi32>], vector<16xf32>,
        %gather3A_51 = tpu.vector_load_idx %arg13[%shift_right_logical3A_46, %and3A_49] : memref<64x128xf32, #tpu.memory_space<vmem>>[vector<16xi32>, vector<16xi32>], vector<16xf32>,
        %gather3A_52 = tpu.vector_load_idx %arg14[%shift_right_logical3A_46, %and3A_49] : memref<64x128xf32, #tpu.memory_space<vmem>>[vector<16xi32>, vector<16xi32>], vector<16xf32>,
        %sub3A = arith.subf %gather3A_51, %gather3A : vector<16xf32>
        %sub3A_53 = arith.subf %gather3A_52, %gather3A_50 : vector<16xf32>
        %mul3A_54 = arith.mulf %sub3A, %sub3A : vector<16xf32>
        %mul3A_55 = arith.mulf %sub3A_53, %sub3A_53 : vector<16xf32>
        %add3A_56 = arith.addf %mul3A_54, %mul3A_55 : vector<16xf32>
        %mul3A_57 = arith.constant 16 : i32
        %mul3A_58 = arith.muli %scan3A_28, %mul3A_57 : i32
        %swap3A = arith.index_cast %mul3A_58 : i32 to index
        %swap3A_59 = tpu.vector_load %arg15[%swap3A] {strides = array<i32>} : memref<128xf32, #tpu.memory_space<vmem>>, vector<16xf32>,
        tpu.vector_store %arg15[%swap3A], %add3A_56 {strides = array<i32>} : memref<128xf32, #tpu.memory_space<vmem>>, vector<16xf32>,
      }
      %scan3A_22 = arith.constant 8 : i32
      "tpu.region"() ({
        %run_scoped3A = tpu.sem_alloc : memref<!tpu.dma_semaphore, #tpu.memory_space<semaphore_mem>>
        %dma_start3A_28 = tpu.memref_slice %arg9[%add3A_11] : memref<262144xf32, #tpu.memory_space<hbm>> -> memref<128xf32, #tpu.memory_space<hbm>>
        %dma_start3A_29 = tpu.memref_slice %arg9[%add3A_11] : memref<262144xf32, #tpu.memory_space<hbm>> -> memref<128xf32, #tpu.memory_space<hbm>>
        tpu.enqueue_dma source(%arg15 : memref<128xf32, #tpu.memory_space<vmem>>) target(%dma_start3A_29 : memref<128xf32, #tpu.memory_space<hbm>>) target_semaphore(%run_scoped3A : memref<!tpu.dma_semaphore, #tpu.memory_space<semaphore_mem>>)
        %dma_wait3A_30 = tpu.memref_slice %arg9[%add3A_11] : memref<262144xf32, #tpu.memory_space<hbm>> -> memref<128xf32, #tpu.memory_space<hbm>>
        %dma_wait3A_31 = tpu.memref_slice %arg9[%add3A_11] : memref<262144xf32, #tpu.memory_space<hbm>> -> memref<128xf32, #tpu.memory_space<hbm>>
        tpu.wait_dma2 semaphore(%run_scoped3A : memref<!tpu.dma_semaphore, #tpu.memory_space<semaphore_mem>>) src(%arg15 : memref<128xf32, #tpu.memory_space<vmem>>) dst(%dma_wait3A_31 : memref<128xf32, #tpu.memory_space<hbm>>)
        tpu.yield
      }) : () -> ()
      %dma_wait3A = arith.constant 0 : i32
      %dma_wait3A_23 = arith.constant 0 : i32
      %dma_wait3A_24 = tpu.memref_slice %arg2[%dma_wait3A, %dma_wait3A_23] : memref<8192x128xf32, #tpu.memory_space<hbm>> -> memref<8192x128xf32, #tpu.memory_space<hbm>>
      tpu.wait_indirect_dma semaphore(%arg16 : memref<!tpu.dma_semaphore, #tpu.memory_space<semaphore_mem>>) src(%dma_wait3A_24 : memref<8192x128xf32, #tpu.memory_space<hbm>>) dst(%arg11 : memref<128x128xf32, #tpu.memory_space<vmem>>)
      %dma_wait3A_25 = arith.constant 0 : i32
      %dma_wait3A_26 = arith.constant 0 : i32
      %dma_wait3A_27 = tpu.memref_slice %arg3[%dma_wait3A_25, %dma_wait3A_26] : memref<8192x128xf32, #tpu.memory_space<hbm>> -> memref<8192x128xf32, #tpu.memory_space<hbm>>
      tpu.wait_indirect_dma semaphore(%arg17 : memref<!tpu.dma_semaphore, #tpu.memory_space<semaphore_mem>>) src(%dma_wait3A_27 : memref<8192x128xf32, #tpu.memory_space<hbm>>) dst(%arg12 : memref<128x128xf32, #tpu.memory_space<vmem>>)
      "tpu.region"() ({
        %run_scoped3A = tpu.sem_alloc : memref<!tpu.dma_semaphore, #tpu.memory_space<semaphore_mem>>
        %dma_start3A_28 = arith.constant 0 : i32
        %dma_start3A_29 = tpu.memref_slice %arg7[%add3A_11, %dma_start3A_28] : memref<262144x128xf32, #tpu.memory_space<hbm>> -> memref<128x128xf32, #tpu.memory_space<hbm>>
        %dma_start3A_30 = arith.constant 0 : i32
        %dma_start3A_31 = tpu.memref_slice %arg7[%add3A_11, %dma_start3A_30] : memref<262144x128xf32, #tpu.memory_space<hbm>> -> memref<128x128xf32, #tpu.memory_space<hbm>>
        tpu.enqueue_dma source(%arg11 : memref<128x128xf32, #tpu.memory_space<vmem>>) target(%dma_start3A_31 : memref<128x128xf32, #tpu.memory_space<hbm>>) target_semaphore(%run_scoped3A : memref<!tpu.dma_semaphore, #tpu.memory_space<semaphore_mem>>)
        %dma_wait3A_32 = arith.constant 0 : i32
        %dma_wait3A_33 = tpu.memref_slice %arg7[%add3A_11, %dma_wait3A_32] : memref<262144x128xf32, #tpu.memory_space<hbm>> -> memref<128x128xf32, #tpu.memory_space<hbm>>
        %dma_wait3A_34 = arith.constant 0 : i32
        %dma_wait3A_35 = tpu.memref_slice %arg7[%add3A_11, %dma_wait3A_34] : memref<262144x128xf32, #tpu.memory_space<hbm>> -> memref<128x128xf32, #tpu.memory_space<hbm>>
        tpu.wait_dma2 semaphore(%run_scoped3A : memref<!tpu.dma_semaphore, #tpu.memory_space<semaphore_mem>>) src(%arg11 : memref<128x128xf32, #tpu.memory_space<vmem>>) dst(%dma_wait3A_35 : memref<128x128xf32, #tpu.memory_space<hbm>>)
        tpu.yield
      }) : () -> ()
      "tpu.region"() ({
        %run_scoped3A = tpu.sem_alloc : memref<!tpu.dma_semaphore, #tpu.memory_space<semaphore_mem>>
        %dma_start3A_28 = arith.constant 0 : i32
        %dma_start3A_29 = tpu.memref_slice %arg8[%add3A_11, %dma_start3A_28] : memref<262144x128xf32, #tpu.memory_space<hbm>> -> memref<128x128xf32, #tpu.memory_space<hbm>>
        %dma_start3A_30 = arith.constant 0 : i32
        %dma_start3A_31 = tpu.memref_slice %arg8[%add3A_11, %dma_start3A_30] : memref<262144x128xf32, #tpu.memory_space<hbm>> -> memref<128x128xf32, #tpu.memory_space<hbm>>
        tpu.enqueue_dma source(%arg12 : memref<128x128xf32, #tpu.memory_space<vmem>>) target(%dma_start3A_31 : memref<128x128xf32, #tpu.memory_space<hbm>>) target_semaphore(%run_scoped3A : memref<!tpu.dma_semaphore, #tpu.memory_space<semaphore_mem>>)
        %dma_wait3A_32 = arith.constant 0 : i32
        %dma_wait3A_33 = tpu.memref_slice %arg8[%add3A_11, %dma_wait3A_32] : memref<262144x128xf32, #tpu.memory_space<hbm>> -> memref<128x128xf32, #tpu.memory_space<hbm>>
        %dma_wait3A_34 = arith.constant 0 : i32
        %dma_wait3A_35 = tpu.memref_slice %arg8[%add3A_11, %dma_wait3A_34] : memref<262144x128xf32, #tpu.memory_space<hbm>> -> memref<128x128xf32, #tpu.memory_space<hbm>>
        tpu.wait_dma2 semaphore(%run_scoped3A : memref<!tpu.dma_semaphore, #tpu.memory_space<semaphore_mem>>) src(%arg12 : memref<128x128xf32, #tpu.memory_space<vmem>>) dst(%dma_wait3A_35 : memref<128x128xf32, #tpu.memory_space<hbm>>)
        tpu.yield
      }) : () -> ()
    }
    %scan3A_7 = arith.constant 64 : i32
    return
  }
}

module attributes {stable_mosaic.version = 14 : i64} {
  func.func @_knn_body(%arg0: i32, %arg1: memref<8192x1xf32, #tpu.memory_space<vmem>>, %arg2: memref<1x8192xf32, #tpu.memory_space<vmem>>, %arg3: memref<8192x1xf32, #tpu.memory_space<vmem>>, %arg4: memref<1x8192xf32, #tpu.memory_space<vmem>>, %arg5: memref<33x128xi32, #tpu.memory_space<vmem>>, %arg6: memref<1024x128xi32, #tpu.memory_space<vmem>>) attributes {dimension_semantics = [#tpu.dimension_semantics<arbitrary>], iteration_bounds = array<i64: 64>, scalar_prefetch = 0 : i64, scratch_operands = 1 : i64, tpu.core_type = #tpu.core_type<tc>, window_params = [{pipeline_mode = #tpu.pipeline_mode<synchronous>, transform_indices = @transform_0, window_bounds = array<i64: 8192, 1>}, {pipeline_mode = #tpu.pipeline_mode<synchronous>, transform_indices = @transform_1, window_bounds = array<i64: 1, 8192>}, {pipeline_mode = #tpu.pipeline_mode<synchronous>, transform_indices = @transform_2, window_bounds = array<i64: 8192, 1>}, {pipeline_mode = #tpu.pipeline_mode<synchronous>, transform_indices = @transform_3, window_bounds = array<i64: 1, 8192>}, {transform_indices = @transform_4, window_bounds = array<i64: 33, 128>}]} {
    %mul3A = arith.constant 128 : i32
    %mul3A_0 = arith.muli %arg0, %mul3A : i32
    %get3A = arith.constant 0 : index
    %get3A_1 = arith.index_cast %mul3A_0 : i32 to index
    %get3A_2 = vector.load %arg2[%get3A, %get3A_1] : memref<1x8192xf32, #tpu.memory_space<vmem>>, vector<1x128xf32>
    %get3A_3 = arith.constant 0 : index
    %get3A_4 = arith.index_cast %mul3A_0 : i32 to index
    %get3A_5 = vector.load %arg4[%get3A_3, %get3A_4] : memref<1x8192xf32, #tpu.memory_space<vmem>>, vector<1x128xf32>
    %mul3A_6 = arith.mulf %get3A_2, %get3A_2 : vector<1x128xf32>
    %mul3A_7 = arith.mulf %get3A_5, %get3A_5 : vector<1x128xf32>
    %add3A = arith.addf %mul3A_6, %mul3A_7 : vector<1x128xf32>
    %bitcast_convert_type3A = tpu.bitcast %get3A_2 : vector<1x128xf32> -> vector<1x128xi32>
    %add3A_8 = arith.constant 32767 : i32
    %add3A_9 = vector.broadcast %add3A_8 : i32 to vector<1x128xi32>
    %add3A_10 = arith.addi %bitcast_convert_type3A, %add3A_9 : vector<1x128xi32>
    %shift_right_logical3A = arith.constant 16 : i32
    %shift_right_logical3A_11 = vector.broadcast %shift_right_logical3A : i32 to vector<1x128xi32>
    %shift_right_logical3A_12 = arith.shrui %bitcast_convert_type3A, %shift_right_logical3A_11 : vector<1x128xi32>
    %and3A = arith.constant 1 : i32
    %and3A_13 = vector.broadcast %and3A : i32 to vector<1x128xi32>
    %and3A_14 = arith.andi %shift_right_logical3A_12, %and3A_13 : vector<1x128xi32>
    %add3A_15 = arith.addi %add3A_10, %and3A_14 : vector<1x128xi32>
    %and3A_16 = arith.constant -65536 : i32
    %and3A_17 = vector.broadcast %and3A_16 : i32 to vector<1x128xi32>
    %and3A_18 = arith.andi %add3A_15, %and3A_17 : vector<1x128xi32>
    %bitcast_convert_type3A_19 = tpu.bitcast %and3A_18 : vector<1x128xi32> -> vector<1x128xf32>
    %bitcast_convert_type3A_20 = tpu.bitcast %get3A_5 : vector<1x128xf32> -> vector<1x128xi32>
    %add3A_21 = arith.constant 32767 : i32
    %add3A_22 = vector.broadcast %add3A_21 : i32 to vector<1x128xi32>
    %add3A_23 = arith.addi %bitcast_convert_type3A_20, %add3A_22 : vector<1x128xi32>
    %shift_right_logical3A_24 = arith.constant 16 : i32
    %shift_right_logical3A_25 = vector.broadcast %shift_right_logical3A_24 : i32 to vector<1x128xi32>
    %shift_right_logical3A_26 = arith.shrui %bitcast_convert_type3A_20, %shift_right_logical3A_25 : vector<1x128xi32>
    %and3A_27 = arith.constant 1 : i32
    %and3A_28 = vector.broadcast %and3A_27 : i32 to vector<1x128xi32>
    %and3A_29 = arith.andi %shift_right_logical3A_26, %and3A_28 : vector<1x128xi32>
    %add3A_30 = arith.addi %add3A_23, %and3A_29 : vector<1x128xi32>
    %and3A_31 = arith.constant -65536 : i32
    %and3A_32 = vector.broadcast %and3A_31 : i32 to vector<1x128xi32>
    %and3A_33 = arith.andi %add3A_30, %and3A_32 : vector<1x128xi32>
    %bitcast_convert_type3A_34 = tpu.bitcast %and3A_33 : vector<1x128xi32> -> vector<1x128xf32>
    %scan3A = arith.constant 0 : i32
    %scan3A_35 = arith.constant 128 : i32
    %scan3A_36 = arith.addi %scan3A, %scan3A_35 : i32
    %scan3A_37 = arith.constant 1 : i32
    scf.for %scan3A_65 = %scan3A to %scan3A_36 step %scan3A_37  : i32 {
      %mul3A_66 = arith.constant 64 : i32
      %mul3A_67 = arith.muli %scan3A_65, %mul3A_66 : i32
      %multiple_of3A = tpu.assume_multiple %mul3A_67, 64 : i32
      %get3A_68 = arith.index_cast %multiple_of3A : i32 to index
      %get3A_69 = arith.constant 0 : index
      %get3A_70 = vector.load %arg1[%get3A_68, %get3A_69] : memref<8192x1xf32, #tpu.memory_space<vmem>>, vector<64x1xf32>
      %get3A_71 = arith.index_cast %multiple_of3A : i32 to index
      %get3A_72 = arith.constant 0 : index
      %get3A_73 = vector.load %arg3[%get3A_71, %get3A_72] : memref<8192x1xf32, #tpu.memory_space<vmem>>, vector<64x1xf32>
      %mul3A_74 = arith.mulf %get3A_70, %get3A_70 : vector<64x1xf32>
      %mul3A_75 = arith.mulf %get3A_73, %get3A_73 : vector<64x1xf32>
      %add3A_76 = arith.addf %mul3A_74, %mul3A_75 : vector<64x1xf32>
      %bitcast_convert_type3A_77 = tpu.bitcast %get3A_70 : vector<64x1xf32> -> vector<64x1xi32>
      %add3A_78 = arith.constant 32767 : i32
      %add3A_79 = vector.broadcast %add3A_78 : i32 to vector<64x1xi32>
      %add3A_80 = arith.addi %bitcast_convert_type3A_77, %add3A_79 : vector<64x1xi32>
      %shift_right_logical3A_81 = arith.constant 16 : i32
      %shift_right_logical3A_82 = vector.broadcast %shift_right_logical3A_81 : i32 to vector<64x1xi32>
      %shift_right_logical3A_83 = arith.shrui %bitcast_convert_type3A_77, %shift_right_logical3A_82 : vector<64x1xi32>
      %and3A_84 = arith.constant 1 : i32
      %and3A_85 = vector.broadcast %and3A_84 : i32 to vector<64x1xi32>
      %and3A_86 = arith.andi %shift_right_logical3A_83, %and3A_85 : vector<64x1xi32>
      %add3A_87 = arith.addi %add3A_80, %and3A_86 : vector<64x1xi32>
      %and3A_88 = arith.constant -65536 : i32
      %and3A_89 = vector.broadcast %and3A_88 : i32 to vector<64x1xi32>
      %and3A_90 = arith.andi %add3A_87, %and3A_89 : vector<64x1xi32>
      %bitcast_convert_type3A_91 = tpu.bitcast %and3A_90 : vector<64x1xi32> -> vector<64x1xf32>
      %mul3A_92 = vector.broadcast %bitcast_convert_type3A_91 : vector<64x1xf32> to vector<64x128xf32>
      %mul3A_93 = vector.broadcast %bitcast_convert_type3A_19 : vector<1x128xf32> to vector<64x128xf32>
      %mul3A_94 = arith.mulf %mul3A_92, %mul3A_93 : vector<64x128xf32>
      %bitcast_convert_type3A_95 = tpu.bitcast %get3A_73 : vector<64x1xf32> -> vector<64x1xi32>
      %add3A_96 = arith.constant 32767 : i32
      %add3A_97 = vector.broadcast %add3A_96 : i32 to vector<64x1xi32>
      %add3A_98 = arith.addi %bitcast_convert_type3A_95, %add3A_97 : vector<64x1xi32>
      %shift_right_logical3A_99 = arith.constant 16 : i32
      %shift_right_logical3A_100 = vector.broadcast %shift_right_logical3A_99 : i32 to vector<64x1xi32>
      %shift_right_logical3A_101 = arith.shrui %bitcast_convert_type3A_95, %shift_right_logical3A_100 : vector<64x1xi32>
      %and3A_102 = arith.constant 1 : i32
      %and3A_103 = vector.broadcast %and3A_102 : i32 to vector<64x1xi32>
      %and3A_104 = arith.andi %shift_right_logical3A_101, %and3A_103 : vector<64x1xi32>
      %add3A_105 = arith.addi %add3A_98, %and3A_104 : vector<64x1xi32>
      %and3A_106 = arith.constant -65536 : i32
      %and3A_107 = vector.broadcast %and3A_106 : i32 to vector<64x1xi32>
      %and3A_108 = arith.andi %add3A_105, %and3A_107 : vector<64x1xi32>
      %bitcast_convert_type3A_109 = tpu.bitcast %and3A_108 : vector<64x1xi32> -> vector<64x1xf32>
      %mul3A_110 = vector.broadcast %bitcast_convert_type3A_109 : vector<64x1xf32> to vector<64x128xf32>
      %mul3A_111 = vector.broadcast %bitcast_convert_type3A_34 : vector<1x128xf32> to vector<64x128xf32>
      %mul3A_112 = arith.mulf %mul3A_110, %mul3A_111 : vector<64x128xf32>
      %add3A_113 = arith.addf %mul3A_94, %mul3A_112 : vector<64x128xf32>
      %add3A_114 = vector.broadcast %add3A_76 : vector<64x1xf32> to vector<64x128xf32>
      %add3A_115 = vector.broadcast %add3A : vector<1x128xf32> to vector<64x128xf32>
      %add3A_116 = arith.addf %add3A_114, %add3A_115 : vector<64x128xf32>
      %mul3A_117 = arith.constant 2.000000e+00 : f32
      %mul3A_118 = vector.broadcast %mul3A_117 : f32 to vector<64x128xf32>
      %mul3A_119 = arith.mulf %mul3A_118, %add3A_113 : vector<64x128xf32>
      %sub3A = arith.subf %add3A_116, %mul3A_119 : vector<64x128xf32>
      %max3A = arith.constant 0.000000e+00 : f32
      %max3A_120 = vector.broadcast %max3A : f32 to vector<64x128xf32>
      %max3A_121 = arith.maximumf %sub3A, %max3A_120 : vector<64x128xf32>
      %bitcast_convert_type3A_122 = tpu.bitcast %max3A_121 : vector<64x128xf32> -> vector<64x128xi32>
      %iota3A_123 = tpu.iota {dimensions = array<i32: 0>} : vector<64x128xi32>
      %and3A_124 = arith.constant -64 : i32
      %and3A_125 = vector.broadcast %and3A_124 : i32 to vector<64x128xi32>
      %and3A_126 = arith.andi %bitcast_convert_type3A_122, %and3A_125 : vector<64x128xi32>
      %or3A = arith.ori %and3A_126, %iota3A_123 : vector<64x128xi32>
      %reduce_min3A = arith.constant dense<2147483647> : vector<128xi32>
      %reduce_min3A_127 = vector.multi_reduction <minsi>, %or3A, %reduce_min3A [0] : vector<64x128xi32> to vector<128xi32>
      %broadcast_in_dim3A = vector.shape_cast %reduce_min3A_127 : vector<128xi32> to vector<1x128xi32>
      %eq3A_128 = vector.broadcast %broadcast_in_dim3A : vector<1x128xi32> to vector<64x128xi32>
      %eq3A_129 = arith.cmpi eq, %or3A, %eq3A_128 : vector<64x128xi32>
      %jit3A = arith.constant 2147483647 : i32
      %broadcast_in_dim3A_130 = vector.broadcast %jit3A : i32 to vector<64x128xi32>
      %select_n3A_131 = arith.select %eq3A_129, %broadcast_in_dim3A_130, %or3A : vector<64x128xi1>, vector<64x128xi32>
      %reduce_min3A_132 = arith.constant dense<2147483647> : vector<128xi32>
      %reduce_min3A_133 = vector.multi_reduction <minsi>, %select_n3A_131, %reduce_min3A_132 [0] : vector<64x128xi32> to vector<128xi32>
      %broadcast_in_dim3A_134 = vector.shape_cast %reduce_min3A_133 : vector<128xi32> to vector<1x128xi32>
      %eq3A_135 = vector.broadcast %broadcast_in_dim3A_134 : vector<1x128xi32> to vector<64x128xi32>
      %eq3A_136 = arith.cmpi eq, %select_n3A_131, %eq3A_135 : vector<64x128xi32>
      %jit3A_137 = arith.constant 2147483647 : i32
      %broadcast_in_dim3A_138 = vector.broadcast %jit3A_137 : i32 to vector<64x128xi32>
      %select_n3A_139 = arith.select %eq3A_136, %broadcast_in_dim3A_138, %select_n3A_131 : vector<64x128xi1>, vector<64x128xi32>
      %reduce_min3A_140 = arith.constant dense<2147483647> : vector<128xi32>
      %reduce_min3A_141 = vector.multi_reduction <minsi>, %select_n3A_139, %reduce_min3A_140 [0] : vector<64x128xi32> to vector<128xi32>
      %broadcast_in_dim3A_142 = vector.shape_cast %reduce_min3A_141 : vector<128xi32> to vector<1x128xi32>
      %eq3A_143 = vector.broadcast %broadcast_in_dim3A_142 : vector<1x128xi32> to vector<64x128xi32>
      %eq3A_144 = arith.cmpi eq, %select_n3A_139, %eq3A_143 : vector<64x128xi32>
      %jit3A_145 = arith.constant 2147483647 : i32
      %broadcast_in_dim3A_146 = vector.broadcast %jit3A_145 : i32 to vector<64x128xi32>
      %select_n3A_147 = arith.select %eq3A_144, %broadcast_in_dim3A_146, %select_n3A_139 : vector<64x128xi1>, vector<64x128xi32>
      %reduce_min3A_148 = arith.constant dense<2147483647> : vector<128xi32>
      %reduce_min3A_149 = vector.multi_reduction <minsi>, %select_n3A_147, %reduce_min3A_148 [0] : vector<64x128xi32> to vector<128xi32>
      %broadcast_in_dim3A_150 = vector.shape_cast %reduce_min3A_149 : vector<128xi32> to vector<1x128xi32>
      %eq3A_151 = vector.broadcast %broadcast_in_dim3A_150 : vector<1x128xi32> to vector<64x128xi32>
      %eq3A_152 = arith.cmpi eq, %select_n3A_147, %eq3A_151 : vector<64x128xi32>
      %jit3A_153 = arith.constant 2147483647 : i32
      %broadcast_in_dim3A_154 = vector.broadcast %jit3A_153 : i32 to vector<64x128xi32>
      %select_n3A_155 = arith.select %eq3A_152, %broadcast_in_dim3A_154, %select_n3A_147 : vector<64x128xi1>, vector<64x128xi32>
      %reduce_min3A_156 = arith.constant dense<2147483647> : vector<128xi32>
      %reduce_min3A_157 = vector.multi_reduction <minsi>, %select_n3A_155, %reduce_min3A_156 [0] : vector<64x128xi32> to vector<128xi32>
      %broadcast_in_dim3A_158 = vector.shape_cast %reduce_min3A_157 : vector<128xi32> to vector<1x128xi32>
      %eq3A_159 = vector.broadcast %broadcast_in_dim3A_158 : vector<1x128xi32> to vector<64x128xi32>
      %eq3A_160 = arith.cmpi eq, %select_n3A_155, %eq3A_159 : vector<64x128xi32>
      %jit3A_161 = arith.constant 2147483647 : i32
      %broadcast_in_dim3A_162 = vector.broadcast %jit3A_161 : i32 to vector<64x128xi32>
      %select_n3A_163 = arith.select %eq3A_160, %broadcast_in_dim3A_162, %select_n3A_155 : vector<64x128xi1>, vector<64x128xi32>
      %reduce_min3A_164 = arith.constant dense<2147483647> : vector<128xi32>
      %reduce_min3A_165 = vector.multi_reduction <minsi>, %select_n3A_163, %reduce_min3A_164 [0] : vector<64x128xi32> to vector<128xi32>
      %broadcast_in_dim3A_166 = vector.shape_cast %reduce_min3A_165 : vector<128xi32> to vector<1x128xi32>
      %eq3A_167 = vector.broadcast %broadcast_in_dim3A_166 : vector<1x128xi32> to vector<64x128xi32>
      %eq3A_168 = arith.cmpi eq, %select_n3A_163, %eq3A_167 : vector<64x128xi32>
      %jit3A_169 = arith.constant 2147483647 : i32
      %broadcast_in_dim3A_170 = vector.broadcast %jit3A_169 : i32 to vector<64x128xi32>
      %select_n3A_171 = arith.select %eq3A_168, %broadcast_in_dim3A_170, %select_n3A_163 : vector<64x128xi1>, vector<64x128xi32>
      %reduce_min3A_172 = arith.constant dense<2147483647> : vector<128xi32>
      %reduce_min3A_173 = vector.multi_reduction <minsi>, %select_n3A_171, %reduce_min3A_172 [0] : vector<64x128xi32> to vector<128xi32>
      %broadcast_in_dim3A_174 = vector.shape_cast %reduce_min3A_173 : vector<128xi32> to vector<1x128xi32>
      %eq3A_175 = vector.broadcast %broadcast_in_dim3A_174 : vector<1x128xi32> to vector<64x128xi32>
      %eq3A_176 = arith.cmpi eq, %select_n3A_171, %eq3A_175 : vector<64x128xi32>
      %jit3A_177 = arith.constant 2147483647 : i32
      %broadcast_in_dim3A_178 = vector.broadcast %jit3A_177 : i32 to vector<64x128xi32>
      %select_n3A_179 = arith.select %eq3A_176, %broadcast_in_dim3A_178, %select_n3A_171 : vector<64x128xi1>, vector<64x128xi32>
      %reduce_min3A_180 = arith.constant dense<2147483647> : vector<128xi32>
      %reduce_min3A_181 = vector.multi_reduction <minsi>, %select_n3A_179, %reduce_min3A_180 [0] : vector<64x128xi32> to vector<128xi32>
      %broadcast_in_dim3A_182 = vector.shape_cast %reduce_min3A_181 : vector<128xi32> to vector<1x128xi32>
      %concatenate3A = tpu.concatenate %broadcast_in_dim3A, %broadcast_in_dim3A_134, %broadcast_in_dim3A_142, %broadcast_in_dim3A_150, %broadcast_in_dim3A_158, %broadcast_in_dim3A_166, %broadcast_in_dim3A_174, %broadcast_in_dim3A_182 in 0 : vector<1x128xi32>, vector<1x128xi32>, vector<1x128xi32>, vector<1x128xi32>, vector<1x128xi32>, vector<1x128xi32>, vector<1x128xi32>, vector<1x128xi32> -> vector<8x128xi32>
      %mul3A_183 = arith.constant 8 : i32
      %mul3A_184 = arith.muli %scan3A_65, %mul3A_183 : i32
      %multiple_of3A_185 = tpu.assume_multiple %mul3A_184, 8 : i32
      %swap3A_186 = arith.index_cast %multiple_of3A_185 : i32 to index
      %swap3A_187 = arith.constant 0 : index
      %swap3A_188 = vector.load %arg6[%swap3A_186, %swap3A_187] : memref<1024x128xi32, #tpu.memory_space<vmem>>, vector<8x128xi32>
      tpu.vector_store %arg6[%swap3A_186, %swap3A_187], %concatenate3A {strides = array<i32>} : memref<1024x128xi32, #tpu.memory_space<vmem>>, vector<8x128xi32>,
    }
    %scan3A_38 = arith.constant 128 : i32
    %iota3A = tpu.iota {dimensions = array<i32: 0>} : vector<33x128xi32>
    %get3A_39 = arith.constant 0 : index
    %get3A_40 = arith.constant 0 : index
    %get3A_41 = vector.load %arg6[%get3A_39, %get3A_40] : memref<1024x128xi32, #tpu.memory_space<vmem>>, vector<1024x128xi32>
    %iota3A_42 = tpu.iota {dimensions = array<i32: 0>} : vector<1024x128xi32>
    %shift_right_logical3A_43 = arith.constant 3 : i32
    %shift_right_logical3A_44 = vector.broadcast %shift_right_logical3A_43 : i32 to vector<1024x128xi32>
    %shift_right_logical3A_45 = arith.shrui %iota3A_42, %shift_right_logical3A_44 : vector<1024x128xi32>
    %mul3A_46 = arith.constant 64 : i32
    %mul3A_47 = vector.broadcast %mul3A_46 : i32 to vector<1024x128xi32>
    %mul3A_48 = arith.muli %shift_right_logical3A_45, %mul3A_47 : vector<1024x128xi32>
    %and3A_49 = arith.constant 63 : i32
    %and3A_50 = vector.broadcast %and3A_49 : i32 to vector<1024x128xi32>
    %and3A_51 = arith.andi %get3A_41, %and3A_50 : vector<1024x128xi32>
    %add3A_52 = arith.addi %mul3A_48, %and3A_51 : vector<1024x128xi32>
    %and3A_53 = arith.constant -64 : i32
    %and3A_54 = vector.broadcast %and3A_53 : i32 to vector<1024x128xi32>
    %and3A_55 = arith.andi %get3A_41, %and3A_54 : vector<1024x128xi32>
    %eq3A = arith.constant 0 : i32
    %eq3A_56 = vector.broadcast %eq3A : i32 to vector<1024x128xi32>
    %eq3A_57 = arith.cmpi eq, %and3A_55, %eq3A_56 : vector<1024x128xi32>
    %select_n3A = arith.select %eq3A_57, %add3A_52, %get3A_41 : vector<1024x128xi1>, vector<1024x128xi32>
    %swap3A = arith.constant 0 : index
    %swap3A_58 = arith.constant 0 : index
    %swap3A_59 = vector.load %arg6[%swap3A, %swap3A_58] : memref<1024x128xi32, #tpu.memory_space<vmem>>, vector<1024x128xi32>
    tpu.vector_store %arg6[%swap3A, %swap3A_58], %select_n3A {strides = array<i32>} : memref<1024x128xi32, #tpu.memory_space<vmem>>, vector<1024x128xi32>,
    %scan3A_60 = arith.constant 0 : i32
    %scan3A_61 = arith.constant 33 : i32
    %scan3A_62 = arith.addi %scan3A_60, %scan3A_61 : i32
    %scan3A_63 = arith.constant 1 : i32
    scf.for %scan3A_65 = %scan3A_60 to %scan3A_62 step %scan3A_63  : i32 {
      %get3A_66 = arith.constant 0 : index
      %get3A_67 = arith.constant 0 : index
      %get3A_68 = vector.load %arg6[%get3A_66, %get3A_67] : memref<1024x128xi32, #tpu.memory_space<vmem>>, vector<1024x128xi32>
      %reduce_min3A = arith.constant dense<2147483647> : vector<128xi32>
      %reduce_min3A_69 = vector.multi_reduction <minsi>, %get3A_68, %reduce_min3A [0] : vector<1024x128xi32> to vector<128xi32>
      %broadcast_in_dim3A = vector.shape_cast %reduce_min3A_69 : vector<128xi32> to vector<1x128xi32>
      %iota3A_70 = tpu.iota {dimensions = array<i32: 0>} : vector<1024x128xi32>
      %eq3A_71 = vector.broadcast %broadcast_in_dim3A : vector<1x128xi32> to vector<1024x128xi32>
      %eq3A_72 = arith.cmpi eq, %get3A_68, %eq3A_71 : vector<1024x128xi32>
      %jit3A = arith.constant 2147483647 : i32
      %broadcast_in_dim3A_73 = vector.broadcast %jit3A : i32 to vector<1024x128xi32>
      %select_n3A_74 = arith.select %eq3A_72, %iota3A_70, %broadcast_in_dim3A_73 : vector<1024x128xi1>, vector<1024x128xi32>
      %reduce_min3A_75 = arith.constant dense<2147483647> : vector<128xi32>
      %reduce_min3A_76 = vector.multi_reduction <minsi>, %select_n3A_74, %reduce_min3A_75 [0] : vector<1024x128xi32> to vector<128xi32>
      %broadcast_in_dim3A_77 = vector.shape_cast %reduce_min3A_76 : vector<128xi32> to vector<1x128xi32>
      %eq3A_78 = vector.broadcast %broadcast_in_dim3A_77 : vector<1x128xi32> to vector<1024x128xi32>
      %eq3A_79 = arith.cmpi eq, %iota3A_70, %eq3A_78 : vector<1024x128xi32>
      %jit3A_80 = arith.constant 2147483647 : i32
      %broadcast_in_dim3A_81 = vector.broadcast %jit3A_80 : i32 to vector<1024x128xi32>
      %select_n3A_82 = arith.select %eq3A_79, %broadcast_in_dim3A_81, %get3A_68 : vector<1024x128xi1>, vector<1024x128xi32>
      %swap3A_83 = arith.constant 0 : index
      %swap3A_84 = arith.constant 0 : index
      %swap3A_85 = vector.load %arg6[%swap3A_83, %swap3A_84] : memref<1024x128xi32, #tpu.memory_space<vmem>>, vector<1024x128xi32>
      tpu.vector_store %arg6[%swap3A_83, %swap3A_84], %select_n3A_82 {strides = array<i32>} : memref<1024x128xi32, #tpu.memory_space<vmem>>, vector<1024x128xi32>,
      %shift_right_logical3A_86 = arith.constant 3 : i32
      %shift_right_logical3A_87 = vector.broadcast %shift_right_logical3A_86 : i32 to vector<1x128xi32>
      %shift_right_logical3A_88 = arith.shrui %broadcast_in_dim3A_77, %shift_right_logical3A_87 : vector<1x128xi32>
      %mul3A_89 = arith.constant 64 : i32
      %mul3A_90 = vector.broadcast %mul3A_89 : i32 to vector<1x128xi32>
      %mul3A_91 = arith.muli %shift_right_logical3A_88, %mul3A_90 : vector<1x128xi32>
      %and3A_92 = arith.constant 63 : i32
      %and3A_93 = vector.broadcast %and3A_92 : i32 to vector<1x128xi32>
      %and3A_94 = arith.andi %broadcast_in_dim3A, %and3A_93 : vector<1x128xi32>
      %add3A_95 = arith.addi %mul3A_91, %and3A_94 : vector<1x128xi32>
      %lt3A = arith.constant 8192 : i32
      %lt3A_96 = vector.broadcast %lt3A : i32 to vector<1x128xi32>
      %lt3A_97 = arith.cmpi slt, %broadcast_in_dim3A, %lt3A_96 : vector<1x128xi32>
      %and3A_98 = arith.constant 8191 : i32
      %and3A_99 = vector.broadcast %and3A_98 : i32 to vector<1x128xi32>
      %and3A_100 = arith.andi %broadcast_in_dim3A, %and3A_99 : vector<1x128xi32>
      %select_n3A_101 = arith.select %lt3A_97, %and3A_100, %add3A_95 : vector<1x128xi1>, vector<1x128xi32>
      %eq3A_102 = vector.broadcast %scan3A_65 : i32 to vector<33x128xi32>
      %eq3A_103 = arith.cmpi eq, %iota3A, %eq3A_102 : vector<33x128xi32>
      %broadcast_in_dim3A_104 = vector.shape_cast %select_n3A_101 : vector<1x128xi32> to vector<1x128xi32>
      %broadcast_in_dim3A_105 = vector.broadcast %broadcast_in_dim3A_104 : vector<1x128xi32> to vector<33x128xi32>
      %get3A_106 = arith.constant 0 : index
      %get3A_107 = arith.constant 0 : index
      %get3A_108 = vector.load %arg5[%get3A_106, %get3A_107] : memref<33x128xi32, #tpu.memory_space<vmem>>, vector<33x128xi32>
      %select_n3A_109 = arith.select %eq3A_103, %broadcast_in_dim3A_105, %get3A_108 : vector<33x128xi1>, vector<33x128xi32>
      %swap3A_110 = arith.constant 0 : index
      %swap3A_111 = arith.constant 0 : index
      %swap3A_112 = vector.load %arg5[%swap3A_110, %swap3A_111] : memref<33x128xi32, #tpu.memory_space<vmem>>, vector<33x128xi32>
      tpu.vector_store %arg5[%swap3A_110, %swap3A_111], %select_n3A_109 {strides = array<i32>} : memref<33x128xi32, #tpu.memory_space<vmem>>, vector<33x128xi32>,
    }
    %scan3A_64 = arith.constant 33 : i32
    return
  }
  func.func @transform_0(%arg0: i32) -> (i32, i32) {
    %c0_i32 = arith.constant 0 : i32
    %c0_i32_0 = arith.constant 0 : i32
    %c0_i32_1 = arith.constant 0 : i32
    return %c0_i32, %c0_i32_0 : i32, i32
  }
  func.func @transform_1(%arg0: i32) -> (i32, i32) {
    %c0_i32 = arith.constant 0 : i32
    %c0_i32_0 = arith.constant 0 : i32
    %c0_i32_1 = arith.constant 0 : i32
    return %c0_i32, %c0_i32_0 : i32, i32
  }
  func.func @transform_2(%arg0: i32) -> (i32, i32) {
    %c0_i32 = arith.constant 0 : i32
    %c0_i32_0 = arith.constant 0 : i32
    %c0_i32_1 = arith.constant 0 : i32
    return %c0_i32, %c0_i32_0 : i32, i32
  }
  func.func @transform_3(%arg0: i32) -> (i32, i32) {
    %c0_i32 = arith.constant 0 : i32
    %c0_i32_0 = arith.constant 0 : i32
    %c0_i32_1 = arith.constant 0 : i32
    return %c0_i32, %c0_i32_0 : i32, i32
  }
  func.func @transform_4(%arg0: i32) -> (i32, i32) {
    %c0_i32 = arith.constant 0 : i32
    %c0_i32_0 = arith.constant 0 : i32
    return %c0_i32, %arg0 : i32, i32
  }
}

module attributes {stable_mosaic.version = 14 : i64} {
  func.func @_qkv_body(%arg0: i32, %arg1: memref<1024x128xf32, #tpu.memory_space<vmem>>, %arg2: memref<128x128xf32, #tpu.memory_space<vmem>>, %arg3: memref<128x128xf32, #tpu.memory_space<vmem>>, %arg4: memref<128x128xf32, #tpu.memory_space<vmem>>, %arg5: memref<1024x128xf32, #tpu.memory_space<vmem>>, %arg6: memref<1024x128xf32, #tpu.memory_space<vmem>>, %arg7: memref<1024x128xf32, #tpu.memory_space<vmem>>) attributes {dimension_semantics = [#tpu.dimension_semantics<arbitrary>], iteration_bounds = array<i64: 8>, scalar_prefetch = 0 : i64, scratch_operands = 0 : i64, tpu.core_type = #tpu.core_type<tc>, window_params = [{transform_indices = @transform_0, window_bounds = array<i64: 1024, 128>}, {pipeline_mode = #tpu.pipeline_mode<synchronous>, transform_indices = @transform_1, window_bounds = array<i64: 128, 128>}, {pipeline_mode = #tpu.pipeline_mode<synchronous>, transform_indices = @transform_2, window_bounds = array<i64: 128, 128>}, {pipeline_mode = #tpu.pipeline_mode<synchronous>, transform_indices = @transform_3, window_bounds = array<i64: 128, 128>}, {transform_indices = @transform_4, window_bounds = array<i64: 1024, 128>}, {transform_indices = @transform_5, window_bounds = array<i64: 1024, 128>}, {transform_indices = @transform_6, window_bounds = array<i64: 1024, 128>}]} {
    %get3A = arith.constant 0 : index
    %get3A_0 = arith.constant 0 : index
    %get3A_1 = vector.load %arg1[%get3A, %get3A_0] : memref<1024x128xf32, #tpu.memory_space<vmem>>, vector<1024x128xf32>
    %get3A_2 = arith.constant 0 : index
    %get3A_3 = arith.constant 0 : index
    %get3A_4 = vector.load %arg2[%get3A_2, %get3A_3] : memref<128x128xf32, #tpu.memory_space<vmem>>, vector<128x128xf32>
    %dot_general3A = arith.constant dense<0.000000e+00> : vector<1024x128xf32>
    %dot_general3A_5 = tpu.matmul %get3A_1, %get3A_4, %dot_general3A {dimension_numbers = #tpu.dot_dimension_numbers<[1], [0], [0], [1], [0, 0, 1, 1], [], []>, transpose_lhs_hint = false} : vector<1024x128xf32>, vector<128x128xf32>, vector<1024x128xf32> -> vector<1024x128xf32>
    %swap3A = arith.constant 0 : index
    %swap3A_6 = arith.constant 0 : index
    %swap3A_7 = vector.load %arg5[%swap3A, %swap3A_6] : memref<1024x128xf32, #tpu.memory_space<vmem>>, vector<1024x128xf32>
    tpu.vector_store %arg5[%swap3A, %swap3A_6], %dot_general3A_5 {strides = array<i32>} : memref<1024x128xf32, #tpu.memory_space<vmem>>, vector<1024x128xf32>,
    %get3A_8 = arith.constant 0 : index
    %get3A_9 = arith.constant 0 : index
    %get3A_10 = vector.load %arg3[%get3A_8, %get3A_9] : memref<128x128xf32, #tpu.memory_space<vmem>>, vector<128x128xf32>
    %dot_general3A_11 = arith.constant dense<0.000000e+00> : vector<1024x128xf32>
    %dot_general3A_12 = tpu.matmul %get3A_1, %get3A_10, %dot_general3A_11 {dimension_numbers = #tpu.dot_dimension_numbers<[1], [0], [0], [1], [0, 0, 1, 1], [], []>, transpose_lhs_hint = false} : vector<1024x128xf32>, vector<128x128xf32>, vector<1024x128xf32> -> vector<1024x128xf32>
    %swap3A_13 = arith.constant 0 : index
    %swap3A_14 = arith.constant 0 : index
    %swap3A_15 = vector.load %arg6[%swap3A_13, %swap3A_14] : memref<1024x128xf32, #tpu.memory_space<vmem>>, vector<1024x128xf32>
    tpu.vector_store %arg6[%swap3A_13, %swap3A_14], %dot_general3A_12 {strides = array<i32>} : memref<1024x128xf32, #tpu.memory_space<vmem>>, vector<1024x128xf32>,
    %get3A_16 = arith.constant 0 : index
    %get3A_17 = arith.constant 0 : index
    %get3A_18 = vector.load %arg4[%get3A_16, %get3A_17] : memref<128x128xf32, #tpu.memory_space<vmem>>, vector<128x128xf32>
    %dot_general3A_19 = arith.constant dense<0.000000e+00> : vector<1024x128xf32>
    %dot_general3A_20 = tpu.matmul %get3A_1, %get3A_18, %dot_general3A_19 {dimension_numbers = #tpu.dot_dimension_numbers<[1], [0], [0], [1], [0, 0, 1, 1], [], []>, transpose_lhs_hint = false} : vector<1024x128xf32>, vector<128x128xf32>, vector<1024x128xf32> -> vector<1024x128xf32>
    %swap3A_21 = arith.constant 0 : index
    %swap3A_22 = arith.constant 0 : index
    %swap3A_23 = vector.load %arg7[%swap3A_21, %swap3A_22] : memref<1024x128xf32, #tpu.memory_space<vmem>>, vector<1024x128xf32>
    tpu.vector_store %arg7[%swap3A_21, %swap3A_22], %dot_general3A_20 {strides = array<i32>} : memref<1024x128xf32, #tpu.memory_space<vmem>>, vector<1024x128xf32>,
    return
  }
  func.func @transform_0(%arg0: i32) -> (i32, i32) {
    %c0_i32 = arith.constant 0 : i32
    %c0_i32_0 = arith.constant 0 : i32
    return %arg0, %c0_i32 : i32, i32
  }
  func.func @transform_1(%arg0: i32) -> (i32, i32) {
    %c0_i32 = arith.constant 0 : i32
    %c0_i32_0 = arith.constant 0 : i32
    %c0_i32_1 = arith.constant 0 : i32
    return %c0_i32, %c0_i32_0 : i32, i32
  }
  func.func @transform_2(%arg0: i32) -> (i32, i32) {
    %c0_i32 = arith.constant 0 : i32
    %c0_i32_0 = arith.constant 0 : i32
    %c0_i32_1 = arith.constant 0 : i32
    return %c0_i32, %c0_i32_0 : i32, i32
  }
  func.func @transform_3(%arg0: i32) -> (i32, i32) {
    %c0_i32 = arith.constant 0 : i32
    %c0_i32_0 = arith.constant 0 : i32
    %c0_i32_1 = arith.constant 0 : i32
    return %c0_i32, %c0_i32_0 : i32, i32
  }
  func.func @transform_4(%arg0: i32) -> (i32, i32) {
    %c0_i32 = arith.constant 0 : i32
    %c0_i32_0 = arith.constant 0 : i32
    return %arg0, %c0_i32 : i32, i32
  }
  func.func @transform_5(%arg0: i32) -> (i32, i32) {
    %c0_i32 = arith.constant 0 : i32
    %c0_i32_0 = arith.constant 0 : i32
    return %arg0, %c0_i32 : i32, i32
  }
  func.func @transform_6(%arg0: i32) -> (i32, i32) {
    %c0_i32 = arith.constant 0 : i32
    %c0_i32_0 = arith.constant 0 : i32
    return %arg0, %c0_i32 : i32, i32
  }
}

module attributes {stable_mosaic.version = 14 : i64} {
  func.func @_tail_body(%arg0: i32, %arg1: memref<128x128xf32, #tpu.memory_space<vmem>>, %arg2: memref<128x128xf32, #tpu.memory_space<vmem>>, %arg3: memref<4096x128xf32, #tpu.memory_space<vmem>>, %arg4: memref<4096x128xf32, #tpu.memory_space<vmem>>, %arg5: memref<128x32xf32, #tpu.memory_space<vmem>>, %arg6: memref<128x128xf32, #tpu.memory_space<vmem>>, %arg7: memref<1x128xf32, #tpu.memory_space<vmem>>, %arg8: memref<1x128xf32, #tpu.memory_space<vmem>>, %arg9: memref<1x128xf32, #tpu.memory_space<vmem>>, %arg10: memref<128x192xf32, #tpu.memory_space<vmem>>, %arg11: memref<1x192xf32, #tpu.memory_space<vmem>>, %arg12: memref<192x128xf32, #tpu.memory_space<vmem>>, %arg13: memref<1x128xf32, #tpu.memory_space<vmem>>, %arg14: memref<1x128xf32, #tpu.memory_space<vmem>>, %arg15: memref<1x128xf32, #tpu.memory_space<vmem>>, %arg16: memref<128x128xf32, #tpu.memory_space<vmem>>) attributes {dimension_semantics = [#tpu.dimension_semantics<arbitrary>], iteration_bounds = array<i64: 64>, scalar_prefetch = 0 : i64, scratch_operands = 0 : i64, tpu.core_type = #tpu.core_type<tc>, window_params = [{transform_indices = @transform_0, window_bounds = array<i64: 128, 128>}, {transform_indices = @transform_1, window_bounds = array<i64: 128, 128>}, {transform_indices = @transform_2, window_bounds = array<i64: 4096, 128>}, {transform_indices = @transform_3, window_bounds = array<i64: 4096, 128>}, {transform_indices = @transform_4, window_bounds = array<i64: 128, 32>}, {pipeline_mode = #tpu.pipeline_mode<synchronous>, transform_indices = @transform_5, window_bounds = array<i64: 128, 128>}, {pipeline_mode = #tpu.pipeline_mode<synchronous>, transform_indices = @transform_6, window_bounds = array<i64: 1, 128>}, {pipeline_mode = #tpu.pipeline_mode<synchronous>, transform_indices = @transform_7, window_bounds = array<i64: 1, 128>}, {pipeline_mode = #tpu.pipeline_mode<synchronous>, transform_indices = @transform_8, window_bounds = array<i64: 1, 128>}, {pipeline_mode = #tpu.pipeline_mode<synchronous>, transform_indices = @transform_9, window_bounds = array<i64: 128, 192>}, {pipeline_mode = #tpu.pipeline_mode<synchronous>, transform_indices = @transform_10, window_bounds = array<i64: 1, 192>}, {pipeline_mode = #tpu.pipeline_mode<synchronous>, transform_indices = @transform_11, window_bounds = array<i64: 192, 128>}, {pipeline_mode = #tpu.pipeline_mode<synchronous>, transform_indices = @transform_12, window_bounds = array<i64: 1, 128>}, {pipeline_mode = #tpu.pipeline_mode<synchronous>, transform_indices = @transform_13, window_bounds = array<i64: 1, 128>}, {pipeline_mode = #tpu.pipeline_mode<synchronous>, transform_indices = @transform_14, window_bounds = array<i64: 1, 128>}, {transform_indices = @transform_15, window_bounds = array<i64: 128, 128>}]} {
    %get3A = arith.constant 0 : index
    %get3A_0 = arith.constant 0 : index
    %get3A_1 = vector.load %arg3[%get3A, %get3A_0] : memref<4096x128xf32, #tpu.memory_space<vmem>>, vector<4096x128xf32>
    %reshape3A = vector.shape_cast %get3A_1 : vector<4096x128xf32> to vector<128x32x128xf32>
    %get3A_2 = arith.constant 0 : index
    %get3A_3 = arith.constant 0 : index
    %get3A_4 = vector.load %arg4[%get3A_2, %get3A_3] : memref<4096x128xf32, #tpu.memory_space<vmem>>, vector<4096x128xf32>
    %reshape3A_5 = vector.shape_cast %get3A_4 : vector<4096x128xf32> to vector<128x32x128xf32>
    %get3A_6 = arith.constant 0 : index
    %get3A_7 = arith.constant 0 : index
    %get3A_8 = vector.load %arg2[%get3A_6, %get3A_7] : memref<128x128xf32, #tpu.memory_space<vmem>>, vector<128x128xf32>
    %get3A_9 = arith.constant 0 : index
    %get3A_10 = arith.constant 0 : index
    %get3A_11 = vector.load %arg5[%get3A_9, %get3A_10] : memref<128x32xf32, #tpu.memory_space<vmem>>, vector<128x32xf32>
    %sqrt3A = math.sqrt %get3A_11 : vector<128x32xf32>
    %broadcast_in_dim3A = vector.shape_cast %get3A_8 : vector<128x128xf32> to vector<128x1x128xf32>
    %mul3A = vector.broadcast %broadcast_in_dim3A : vector<128x1x128xf32> to vector<128x32x128xf32>
    %mul3A_12 = arith.mulf %reshape3A, %mul3A : vector<128x32x128xf32>
    %reshape3A_13 = vector.shape_cast %mul3A_12 : vector<128x32x128xf32> to vector<4096x128xf32>
    %iota3A = tpu.iota {dimensions = array<i32: 1>} : vector<128x128xi32>
    %iota3A_14 = tpu.iota {dimensions = array<i32: 0>} : vector<128x128xi32>
    %shift_right_logical3A = arith.constant 4 : i32
    %shift_right_logical3A_15 = vector.broadcast %shift_right_logical3A : i32 to vector<128x128xi32>
    %shift_right_logical3A_16 = arith.shrui %iota3A_14, %shift_right_logical3A_15 : vector<128x128xi32>
    %shift_right_logical3A_17 = arith.constant 4 : i32
    %shift_right_logical3A_18 = vector.broadcast %shift_right_logical3A_17 : i32 to vector<128x128xi32>
    %shift_right_logical3A_19 = arith.shrui %iota3A, %shift_right_logical3A_18 : vector<128x128xi32>
    %eq3A = arith.cmpi eq, %shift_right_logical3A_16, %shift_right_logical3A_19 : vector<128x128xi32>
    %convert_element_type3A = arith.extui %eq3A : vector<128x128xi1> to vector<128x128xi32>
    %convert_element_type3A_20 = arith.sitofp %convert_element_type3A : vector<128x128xi32> to vector<128x128xf32>
    %dot_general3A = arith.constant dense<0.000000e+00> : vector<4096x128xf32>
    %dot_general3A_21 = tpu.matmul %reshape3A_13, %convert_element_type3A_20, %dot_general3A {dimension_numbers = #tpu.dot_dimension_numbers<[1], [0], [0], [1], [0, 0, 1, 1], [], []>, transpose_lhs_hint = false} : vector<4096x128xf32>, vector<128x128xf32>, vector<4096x128xf32> -> vector<4096x128xf32>
    %reshape3A_22 = vector.shape_cast %dot_general3A_21 : vector<4096x128xf32> to vector<128x32x128xf32>
    %mul3A_23 = arith.constant 2.500000e-01 : f32
    %mul3A_24 = vector.broadcast %mul3A_23 : f32 to vector<128x32x128xf32>
    %mul3A_25 = arith.mulf %reshape3A_22, %mul3A_24 : vector<128x32x128xf32>
    %iota3A_26 = tpu.iota {dimensions = array<i32: 2>} : vector<1x1x128xi32>
    %shift_right_logical3A_27 = arith.constant 4 : i32
    %shift_right_logical3A_28 = vector.broadcast %shift_right_logical3A_27 : i32 to vector<1x1x128xi32>
    %shift_right_logical3A_29 = arith.shrui %iota3A_26, %shift_right_logical3A_28 : vector<1x1x128xi32>
    %sub3A = arith.constant 126 : i32
    %sub3A_30 = vector.broadcast %sub3A : i32 to vector<1x1x128xi32>
    %sub3A_31 = arith.subi %sub3A_30, %shift_right_logical3A_29 : vector<1x1x128xi32>
    %shift_left3A = arith.constant 23 : i32
    %shift_left3A_32 = vector.broadcast %shift_left3A : i32 to vector<1x1x128xi32>
    %shift_left3A_33 = arith.shli %sub3A_31, %shift_left3A_32 : vector<1x1x128xi32>
    %bitcast_convert_type3A = tpu.bitcast %shift_left3A_33 : vector<1x1x128xi32> -> vector<1x1x128xf32>
    %broadcast_in_dim3A_34 = vector.shape_cast %sqrt3A : vector<128x32xf32> to vector<128x32x1xf32>
    %mul3A_35 = vector.broadcast %broadcast_in_dim3A_34 : vector<128x32x1xf32> to vector<128x32x128xf32>
    %mul3A_36 = vector.broadcast %bitcast_convert_type3A : vector<1x1x128xf32> to vector<128x32x128xf32>
    %mul3A_37 = arith.mulf %mul3A_35, %mul3A_36 : vector<128x32x128xf32>
    %sub3A_38 = arith.subf %mul3A_25, %mul3A_37 : vector<128x32x128xf32>
    %reduce_max3A = arith.constant dense<0xFF800000> : vector<128x128xf32>
    %reduce_max3A_39 = vector.multi_reduction <maximumf>, %sub3A_38, %reduce_max3A [1] : vector<128x32x128xf32> to vector<128x128xf32>
    %broadcast_in_dim3A_40 = vector.shape_cast %reduce_max3A_39 : vector<128x128xf32> to vector<128x1x128xf32>
    %sub3A_41 = vector.broadcast %broadcast_in_dim3A_40 : vector<128x1x128xf32> to vector<128x32x128xf32>
    %sub3A_42 = arith.subf %sub3A_38, %sub3A_41 : vector<128x32x128xf32>
    %exp3A = math.exp %sub3A_42 : vector<128x32x128xf32>
    %reduce_sum3A = arith.constant dense<0.000000e+00> : vector<128x128xf32>
    %reduce_sum3A_43 = vector.multi_reduction <add>, %exp3A, %reduce_sum3A [1] : vector<128x32x128xf32> to vector<128x128xf32>
    %broadcast_in_dim3A_44 = vector.shape_cast %reduce_sum3A_43 : vector<128x128xf32> to vector<128x1x128xf32>
    %div3A = vector.broadcast %broadcast_in_dim3A_44 : vector<128x1x128xf32> to vector<128x32x128xf32>
    %div3A_45 = arith.divf %exp3A, %div3A : vector<128x32x128xf32>
    %neg3A = arith.constant 0.000000e+00 : f32
    %neg3A_46 = vector.broadcast %neg3A : f32 to vector<128x32x128xf32>
    %neg3A_47 = arith.subf %neg3A_46, %mul3A_25 : vector<128x32x128xf32>
    %sub3A_48 = arith.subf %neg3A_47, %mul3A_37 : vector<128x32x128xf32>
    %div3A_49 = arith.constant 6.000000e-01 : f32
    %div3A_50 = vector.broadcast %div3A_49 : f32 to vector<128x32x128xf32>
    %div3A_51 = arith.divf %sub3A_48, %div3A_50 : vector<128x32x128xf32>
    %reduce_max3A_52 = arith.constant dense<0xFF800000> : vector<128x128xf32>
    %reduce_max3A_53 = vector.multi_reduction <maximumf>, %div3A_51, %reduce_max3A_52 [1] : vector<128x32x128xf32> to vector<128x128xf32>
    %broadcast_in_dim3A_54 = vector.shape_cast %reduce_max3A_53 : vector<128x128xf32> to vector<128x1x128xf32>
    %sub3A_55 = vector.broadcast %broadcast_in_dim3A_54 : vector<128x1x128xf32> to vector<128x32x128xf32>
    %sub3A_56 = arith.subf %div3A_51, %sub3A_55 : vector<128x32x128xf32>
    %exp3A_57 = math.exp %sub3A_56 : vector<128x32x128xf32>
    %reduce_sum3A_58 = arith.constant dense<0.000000e+00> : vector<128x128xf32>
    %reduce_sum3A_59 = vector.multi_reduction <add>, %exp3A_57, %reduce_sum3A_58 [1] : vector<128x32x128xf32> to vector<128x128xf32>
    %broadcast_in_dim3A_60 = vector.shape_cast %reduce_sum3A_59 : vector<128x128xf32> to vector<128x1x128xf32>
    %div3A_61 = vector.broadcast %broadcast_in_dim3A_60 : vector<128x1x128xf32> to vector<128x32x128xf32>
    %div3A_62 = arith.divf %exp3A_57, %div3A_61 : vector<128x32x128xf32>
    %mul3A_63 = arith.constant 1.500000e+00 : f32
    %mul3A_64 = vector.broadcast %mul3A_63 : f32 to vector<128x32x128xf32>
    %mul3A_65 = arith.mulf %mul3A_64, %div3A_62 : vector<128x32x128xf32>
    %sub3A_66 = arith.subf %div3A_45, %mul3A_65 : vector<128x32x128xf32>
    %mul3A_67 = arith.mulf %reshape3A_5, %sub3A_66 : vector<128x32x128xf32>
    %reduce_sum3A_68 = arith.constant dense<0.000000e+00> : vector<128x128xf32>
    %reduce_sum3A_69 = vector.multi_reduction <add>, %mul3A_67, %reduce_sum3A_68 [1] : vector<128x32x128xf32> to vector<128x128xf32>
    %get3A_70 = arith.constant 0 : index
    %get3A_71 = arith.constant 0 : index
    %get3A_72 = vector.load %arg6[%get3A_70, %get3A_71] : memref<128x128xf32, #tpu.memory_space<vmem>>, vector<128x128xf32>
    %dot_general3A_73 = arith.constant dense<0.000000e+00> : vector<128x128xf32>
    %dot_general3A_74 = tpu.matmul %reduce_sum3A_69, %get3A_72, %dot_general3A_73 {dimension_numbers = #tpu.dot_dimension_numbers<[1], [0], [0], [1], [0, 0, 1, 1], [], []>, transpose_lhs_hint = false} : vector<128x128xf32>, vector<128x128xf32>, vector<128x128xf32> -> vector<128x128xf32>
    %get3A_75 = arith.constant 0 : index
    %get3A_76 = arith.constant 0 : index
    %get3A_77 = vector.load %arg7[%get3A_75, %get3A_76] : memref<1x128xf32, #tpu.memory_space<vmem>>, vector<1x128xf32>
    %add3A = vector.broadcast %get3A_77 : vector<1x128xf32> to vector<128x128xf32>
    %add3A_78 = arith.addf %dot_general3A_74, %add3A : vector<128x128xf32>
    %get3A_79 = arith.constant 0 : index
    %get3A_80 = arith.constant 0 : index
    %get3A_81 = vector.load %arg1[%get3A_79, %get3A_80] : memref<128x128xf32, #tpu.memory_space<vmem>>, vector<128x128xf32>
    %add3A_82 = arith.addf %add3A_78, %get3A_81 : vector<128x128xf32>
    %reduce_sum3A_83 = arith.constant dense<0.000000e+00> : vector<128xf32>
    %reduce_sum3A_84 = vector.multi_reduction <add>, %add3A_82, %reduce_sum3A_83 [1] : vector<128x128xf32> to vector<128xf32>
    %broadcast_in_dim3A_85 = vector.shape_cast %reduce_sum3A_84 : vector<128xf32> to vector<128x1xf32>
    %div3A_86 = arith.constant 1.280000e+02 : f32
    %div3A_87 = vector.broadcast %div3A_86 : f32 to vector<128x1xf32>
    %div3A_88 = arith.divf %broadcast_in_dim3A_85, %div3A_87 : vector<128x1xf32>
    %sub3A_89 = vector.broadcast %div3A_88 : vector<128x1xf32> to vector<128x128xf32>
    %sub3A_90 = arith.subf %add3A_82, %sub3A_89 : vector<128x128xf32>
    %integer_pow3A = arith.mulf %sub3A_90, %sub3A_90 : vector<128x128xf32>
    %reduce_sum3A_91 = arith.constant dense<0.000000e+00> : vector<128xf32>
    %reduce_sum3A_92 = vector.multi_reduction <add>, %integer_pow3A, %reduce_sum3A_91 [1] : vector<128x128xf32> to vector<128xf32>
    %broadcast_in_dim3A_93 = vector.shape_cast %reduce_sum3A_92 : vector<128xf32> to vector<128x1xf32>
    %div3A_94 = arith.constant 1.280000e+02 : f32
    %div3A_95 = vector.broadcast %div3A_94 : f32 to vector<128x1xf32>
    %div3A_96 = arith.divf %broadcast_in_dim3A_93, %div3A_95 : vector<128x1xf32>
    %sub3A_97 = vector.broadcast %div3A_88 : vector<128x1xf32> to vector<128x128xf32>
    %sub3A_98 = arith.subf %add3A_82, %sub3A_97 : vector<128x128xf32>
    %add3A_99 = arith.constant 9.99999974E-6 : f32
    %add3A_100 = vector.broadcast %add3A_99 : f32 to vector<128x1xf32>
    %add3A_101 = arith.addf %div3A_96, %add3A_100 : vector<128x1xf32>
    %sqrt3A_102 = math.sqrt %add3A_101 : vector<128x1xf32>
    %div3A_103 = vector.broadcast %sqrt3A_102 : vector<128x1xf32> to vector<128x128xf32>
    %div3A_104 = arith.divf %sub3A_98, %div3A_103 : vector<128x128xf32>
    %get3A_105 = arith.constant 0 : index
    %get3A_106 = arith.constant 0 : index
    %get3A_107 = vector.load %arg8[%get3A_105, %get3A_106] : memref<1x128xf32, #tpu.memory_space<vmem>>, vector<1x128xf32>
    %mul3A_108 = vector.broadcast %get3A_107 : vector<1x128xf32> to vector<128x128xf32>
    %mul3A_109 = arith.mulf %div3A_104, %mul3A_108 : vector<128x128xf32>
    %get3A_110 = arith.constant 0 : index
    %get3A_111 = arith.constant 0 : index
    %get3A_112 = vector.load %arg9[%get3A_110, %get3A_111] : memref<1x128xf32, #tpu.memory_space<vmem>>, vector<1x128xf32>
    %add3A_113 = vector.broadcast %get3A_112 : vector<1x128xf32> to vector<128x128xf32>
    %add3A_114 = arith.addf %mul3A_109, %add3A_113 : vector<128x128xf32>
    %get3A_115 = arith.constant 0 : index
    %get3A_116 = arith.constant 0 : index
    %get3A_117 = vector.load %arg10[%get3A_115, %get3A_116] : memref<128x192xf32, #tpu.memory_space<vmem>>, vector<128x192xf32>
    %dot_general3A_118 = arith.constant dense<0.000000e+00> : vector<128x192xf32>
    %dot_general3A_119 = tpu.matmul %add3A_114, %get3A_117, %dot_general3A_118 {dimension_numbers = #tpu.dot_dimension_numbers<[1], [0], [0], [1], [0, 0, 1, 1], [], []>, transpose_lhs_hint = false} : vector<128x128xf32>, vector<128x192xf32>, vector<128x192xf32> -> vector<128x192xf32>
    %get3A_120 = arith.constant 0 : index
    %get3A_121 = arith.constant 0 : index
    %get3A_122 = vector.load %arg11[%get3A_120, %get3A_121] : memref<1x192xf32, #tpu.memory_space<vmem>>, vector<1x192xf32>
    %add3A_123 = vector.broadcast %get3A_122 : vector<1x192xf32> to vector<128x192xf32>
    %add3A_124 = arith.addf %dot_general3A_119, %add3A_123 : vector<128x192xf32>
    %mul3A_125 = arith.constant 5.000000e-01 : f32
    %mul3A_126 = vector.broadcast %mul3A_125 : f32 to vector<128x192xf32>
    %mul3A_127 = arith.mulf %mul3A_126, %add3A_124 : vector<128x192xf32>
    %mul3A_128 = arith.constant 0.707106769 : f32
    %mul3A_129 = vector.broadcast %mul3A_128 : f32 to vector<128x192xf32>
    %mul3A_130 = arith.mulf %add3A_124, %mul3A_129 : vector<128x192xf32>
    %erf3A = math.erf %mul3A_130 : vector<128x192xf32>
    %add3A_131 = arith.constant 1.000000e+00 : f32
    %add3A_132 = vector.broadcast %add3A_131 : f32 to vector<128x192xf32>
    %add3A_133 = arith.addf %add3A_132, %erf3A : vector<128x192xf32>
    %mul3A_134 = arith.mulf %mul3A_127, %add3A_133 : vector<128x192xf32>
    %get3A_135 = arith.constant 0 : index
    %get3A_136 = arith.constant 0 : index
    %get3A_137 = vector.load %arg12[%get3A_135, %get3A_136] : memref<192x128xf32, #tpu.memory_space<vmem>>, vector<192x128xf32>
    %dot_general3A_138 = arith.constant dense<0.000000e+00> : vector<128x128xf32>
    %dot_general3A_139 = tpu.matmul %mul3A_134, %get3A_137, %dot_general3A_138 {dimension_numbers = #tpu.dot_dimension_numbers<[1], [0], [0], [1], [0, 0, 1, 1], [], []>, transpose_lhs_hint = false} : vector<128x192xf32>, vector<192x128xf32>, vector<128x128xf32> -> vector<128x128xf32>
    %get3A_140 = arith.constant 0 : index
    %get3A_141 = arith.constant 0 : index
    %get3A_142 = vector.load %arg13[%get3A_140, %get3A_141] : memref<1x128xf32, #tpu.memory_space<vmem>>, vector<1x128xf32>
    %add3A_143 = vector.broadcast %get3A_142 : vector<1x128xf32> to vector<128x128xf32>
    %add3A_144 = arith.addf %dot_general3A_139, %add3A_143 : vector<128x128xf32>
    %add3A_145 = arith.addf %add3A_144, %add3A_114 : vector<128x128xf32>
    %reduce_sum3A_146 = arith.constant dense<0.000000e+00> : vector<128xf32>
    %reduce_sum3A_147 = vector.multi_reduction <add>, %add3A_145, %reduce_sum3A_146 [1] : vector<128x128xf32> to vector<128xf32>
    %broadcast_in_dim3A_148 = vector.shape_cast %reduce_sum3A_147 : vector<128xf32> to vector<128x1xf32>
    %div3A_149 = arith.constant 1.280000e+02 : f32
    %div3A_150 = vector.broadcast %div3A_149 : f32 to vector<128x1xf32>
    %div3A_151 = arith.divf %broadcast_in_dim3A_148, %div3A_150 : vector<128x1xf32>
    %sub3A_152 = vector.broadcast %div3A_151 : vector<128x1xf32> to vector<128x128xf32>
    %sub3A_153 = arith.subf %add3A_145, %sub3A_152 : vector<128x128xf32>
    %integer_pow3A_154 = arith.mulf %sub3A_153, %sub3A_153 : vector<128x128xf32>
    %reduce_sum3A_155 = arith.constant dense<0.000000e+00> : vector<128xf32>
    %reduce_sum3A_156 = vector.multi_reduction <add>, %integer_pow3A_154, %reduce_sum3A_155 [1] : vector<128x128xf32> to vector<128xf32>
    %broadcast_in_dim3A_157 = vector.shape_cast %reduce_sum3A_156 : vector<128xf32> to vector<128x1xf32>
    %div3A_158 = arith.constant 1.280000e+02 : f32
    %div3A_159 = vector.broadcast %div3A_158 : f32 to vector<128x1xf32>
    %div3A_160 = arith.divf %broadcast_in_dim3A_157, %div3A_159 : vector<128x1xf32>
    %sub3A_161 = vector.broadcast %div3A_151 : vector<128x1xf32> to vector<128x128xf32>
    %sub3A_162 = arith.subf %add3A_145, %sub3A_161 : vector<128x128xf32>
    %add3A_163 = arith.constant 9.99999974E-6 : f32
    %add3A_164 = vector.broadcast %add3A_163 : f32 to vector<128x1xf32>
    %add3A_165 = arith.addf %div3A_160, %add3A_164 : vector<128x1xf32>
    %sqrt3A_166 = math.sqrt %add3A_165 : vector<128x1xf32>
    %div3A_167 = vector.broadcast %sqrt3A_166 : vector<128x1xf32> to vector<128x128xf32>
    %div3A_168 = arith.divf %sub3A_162, %div3A_167 : vector<128x128xf32>
    %get3A_169 = arith.constant 0 : index
    %get3A_170 = arith.constant 0 : index
    %get3A_171 = vector.load %arg14[%get3A_169, %get3A_170] : memref<1x128xf32, #tpu.memory_space<vmem>>, vector<1x128xf32>
    %mul3A_172 = vector.broadcast %get3A_171 : vector<1x128xf32> to vector<128x128xf32>
    %mul3A_173 = arith.mulf %div3A_168, %mul3A_172 : vector<128x128xf32>
    %get3A_174 = arith.constant 0 : index
    %get3A_175 = arith.constant 0 : index
    %get3A_176 = vector.load %arg15[%get3A_174, %get3A_175] : memref<1x128xf32, #tpu.memory_space<vmem>>, vector<1x128xf32>
    %add3A_177 = vector.broadcast %get3A_176 : vector<1x128xf32> to vector<128x128xf32>
    %add3A_178 = arith.addf %mul3A_173, %add3A_177 : vector<128x128xf32>
    %swap3A = arith.constant 0 : index
    %swap3A_179 = arith.constant 0 : index
    %swap3A_180 = vector.load %arg16[%swap3A, %swap3A_179] : memref<128x128xf32, #tpu.memory_space<vmem>>, vector<128x128xf32>
    tpu.vector_store %arg16[%swap3A, %swap3A_179], %add3A_178 {strides = array<i32>} : memref<128x128xf32, #tpu.memory_space<vmem>>, vector<128x128xf32>,
    return
  }
  func.func @transform_0(%arg0: i32) -> (i32, i32) {
    %c0_i32 = arith.constant 0 : i32
    %c0_i32_0 = arith.constant 0 : i32
    return %arg0, %c0_i32 : i32, i32
  }
  func.func @transform_1(%arg0: i32) -> (i32, i32) {
    %c0_i32 = arith.constant 0 : i32
    %c0_i32_0 = arith.constant 0 : i32
    return %arg0, %c0_i32 : i32, i32
  }
  func.func @transform_2(%arg0: i32) -> (i32, i32) {
    %c0_i32 = arith.constant 0 : i32
    %c0_i32_0 = arith.constant 0 : i32
    return %arg0, %c0_i32 : i32, i32
  }
  func.func @transform_3(%arg0: i32) -> (i32, i32) {
    %c0_i32 = arith.constant 0 : i32
    %c0_i32_0 = arith.constant 0 : i32
    return %arg0, %c0_i32 : i32, i32
  }
  func.func @transform_4(%arg0: i32) -> (i32, i32) {
    %c0_i32 = arith.constant 0 : i32
    %c0_i32_0 = arith.constant 0 : i32
    return %arg0, %c0_i32 : i32, i32
  }
  func.func @transform_5(%arg0: i32) -> (i32, i32) {
    %c0_i32 = arith.constant 0 : i32
    %c0_i32_0 = arith.constant 0 : i32
    %c0_i32_1 = arith.constant 0 : i32
    return %c0_i32, %c0_i32_0 : i32, i32
  }
  func.func @transform_6(%arg0: i32) -> (i32, i32) {
    %c0_i32 = arith.constant 0 : i32
    %c0_i32_0 = arith.constant 0 : i32
    %c0_i32_1 = arith.constant 0 : i32
    return %c0_i32, %c0_i32_0 : i32, i32
  }
  func.func @transform_7(%arg0: i32) -> (i32, i32) {
    %c0_i32 = arith.constant 0 : i32
    %c0_i32_0 = arith.constant 0 : i32
    %c0_i32_1 = arith.constant 0 : i32
    return %c0_i32, %c0_i32_0 : i32, i32
  }
  func.func @transform_8(%arg0: i32) -> (i32, i32) {
    %c0_i32 = arith.constant 0 : i32
    %c0_i32_0 = arith.constant 0 : i32
    %c0_i32_1 = arith.constant 0 : i32
    return %c0_i32, %c0_i32_0 : i32, i32
  }
  func.func @transform_9(%arg0: i32) -> (i32, i32) {
    %c0_i32 = arith.constant 0 : i32
    %c0_i32_0 = arith.constant 0 : i32
    %c0_i32_1 = arith.constant 0 : i32
    return %c0_i32, %c0_i32_0 : i32, i32
  }
  func.func @transform_10(%arg0: i32) -> (i32, i32) {
    %c0_i32 = arith.constant 0 : i32
    %c0_i32_0 = arith.constant 0 : i32
    %c0_i32_1 = arith.constant 0 : i32
    return %c0_i32, %c0_i32_0 : i32, i32
  }
  func.func @transform_11(%arg0: i32) -> (i32, i32) {
    %c0_i32 = arith.constant 0 : i32
    %c0_i32_0 = arith.constant 0 : i32
    %c0_i32_1 = arith.constant 0 : i32
    return %c0_i32, %c0_i32_0 : i32, i32
  }
  func.func @transform_12(%arg0: i32) -> (i32, i32) {
    %c0_i32 = arith.constant 0 : i32
    %c0_i32_0 = arith.constant 0 : i32
    %c0_i32_1 = arith.constant 0 : i32
    return %c0_i32, %c0_i32_0 : i32, i32
  }
  func.func @transform_13(%arg0: i32) -> (i32, i32) {
    %c0_i32 = arith.constant 0 : i32
    %c0_i32_0 = arith.constant 0 : i32
    %c0_i32_1 = arith.constant 0 : i32
    return %c0_i32, %c0_i32_0 : i32, i32
  }
  func.func @transform_14(%arg0: i32) -> (i32, i32) {
    %c0_i32 = arith.constant 0 : i32
    %c0_i32_0 = arith.constant 0 : i32
    %c0_i32_1 = arith.constant 0 : i32
    return %c0_i32, %c0_i32_0 : i32, i32
  }
  func.func @transform_15(%arg0: i32) -> (i32, i32) {
    %c0_i32 = arith.constant 0 : i32
    %c0_i32_0 = arith.constant 0 : i32
    return %arg0, %c0_i32 : i32, i32
  }
}

</mosaic_0001>

<sc_bundles>
// kernel: kernel.6.cloned.1.call-start
scs
__scs_entry_jumppad:
0x0: {  	(pc) =	sbr.rel $0x88, $3  }
0x1: {  	(tag) =	ssettag $0x0;
	lr =	simm.s32 $0x1  }
0x2: {  	[smem:$0x3F92] =	sst lr;
	_ =	strace $0xD0000000  }
0x3: {  	_ = 	snop  }
0x4: {  	_ = 	snop  }
0x5: {  	_ = 	snop  }
0x6: {  	_ = 	snop  }
0x7: {  	_ = 	snop  }
__scs_overlays_trampoline_lowered:
0x8: {  	[smem:$0x3FA1] =	sst s0  }
0x9: {  	[smem:$0x3FA2] =	sst s1  }
0xa: {  	[smem:$0x3FA3] =	sst s2  }
0xb: {  	[smem:$0x3FA4] =	sst s3  }
0xc: {  	[smem:$0x3FA5] =	sst s4  }
0xd: {  	[smem:$0x3FA6] =	sst s5  }
0xe: {  	[smem:$0x3FA7] =	sst s6  }
0xf: {  	[smem:$0x3FA8] =	sst s7  }
0x10: {  	[smem:$0x3FA9] =	sst s8  }
0x11: {  	[smem:$0x3FAA] =	sst s9;
	s0 =	simm.s32 @!p0 $0x0  }
0x12: {  	s1 =	sld [smem:$0x3F90];
	s0 =	simm.s32 @p0 $0x1  }
0x13: {  	[smem:$0x3FAB] =	sst s0;
	s0 =	simm.s32 @!p1 $0x0  }
0x14: {  	s2 =	sld [smem:$0x3F8F];
	s0 =	simm.s32 @p1 $0x1  }
0x15: {  	[smem:$0x3FAC] =	sst s0;
	s0 =	simm.s32 @!p2 $0x0  }
0x16: {  	s3 =	sld [smem:$0x3FDB];
	s0 =	simm.s32 @p2 $0x1  }
0x17: {  	s4 =	simm.s32 $0x1BF5;
	[smem:$0x3FAE] =	sst s0  }
0x18: {  	s0 =	sld [smem:$0x3F91];
	_ =	swait.ge [sflag:s4], $0x0  }
0x19: {  	s7 =	sld [smem:$0x3F92]  }
0x1a: {  	s8 =	sadd.s32 $0xFFFFE003, lr  }
0x1b: {  	s9 =	sadd.s32 $0xFFFFFEF7, lr;
	s5 =	simm.s32 $0xFFFFFFFF;
	p2 =	slt.u32 s8, $0xFFFFF086  }
0x1c: {  	p1 =	slt.u32 s9, $0xF7A;
	s5 =	simm.s32 @!p2 $0x0  }
0x1d: {  	s5 =	simm.s32 @p1 $0x1;
	p0 =	seq.s32 s7, s2  }
0x1e: {  	s7 =	smul.u32 @!p0 $0xF7A, s2;
	p2 =	seq.s32 @!p0 s5, $0x0  }
0x1f: {  	s9 =	smul.u32 $0xF7A, s1;
	s8 =	simm.s32 @!p0 $0x1BF5;
	p2 =	por !p2, p0  }
0x20: {  	[sflag:s8] =	ssyncset.s32 @!p0 $0xFFFFF086;
	s6 =	sadd.s32 @!p0 s3, s7;
	s7 =	simm.s32 @!p0 $0x108  }
0x21: {  	s3 =	sadd.s32 s3, s9;
	s6 =	sadd.s32 @!p0 $0x88, s6;
	s7 =	simm.s32 @p2 $0x1082  }
0x22: {  	[simem:s7], [sflag:s8] =	dma.local @!p0 [hbm:s6], $0xF7A  }
0x23: {  	s9 =	sor.u32 $0xD0000000, s2;
	s6 =	simm.s32 $0x108;
	_ =	swait.ge @!p0 [sflag:s8], $0x0  }
0x24: {  	s3 =	sadd.s32 $0x88, s3;
	s6 =	simm.s32 @!p1 $0x1082;
	[sflag:s4] =	ssyncset.s32 $0xFFFFF086  }
0x25: {  	[simem:s6], [sflag:s4] =	dma.local [hbm:s3], $0xF7A  }
0x26: {  	[smem:$0x3F92] =	sst s1;
	(tag) =	ssettag s2;
	_ =	strace s9  }
0x27: {  	s1 =	sld [smem:$0x3FA2]  }
0x28: {  	s2 =	sld [smem:$0x3FA3]  }
0x29: {  	s4 =	sld [smem:$0x3FA5]  }
0x2a: {  	p0 =	seq.s32 s5, $0x0;
	s5 =	sld [smem:$0x3FA6]  }
0x2b: {  	s6 =	sld [smem:$0x3FA7]  }
0x2c: {  	s7 =	sld [smem:$0x3FA8]  }
0x2d: {  	s3 =	simm.s32 $0x108;
	s8 =	sld [smem:$0x3FA9]  }
0x2e: {  	s3 =	simm.s32 @!p0 $0x1082;
	s9 =	sld [smem:$0x3FAA]  }
0x2f: {  	lr =	sadd.s32 s0, s3;
	s0 =	sld [smem:$0x3FA1]  }
0x30: {  	s3 =	sld [smem:$0x3FA4]  }
0x31: {  	[smem:$0x3FAD] =	sst s10  }
0x32: {  	s10 =	sld [smem:$0x3FAB];
	_ =	sdelay $0x3  }
0x33: {  	p0 =	seq.s32 s10, $0x1;
	s10 =	sld [smem:$0x3FAD];
	_ =	sdelay $0x3  }
0x34: {  	[smem:$0x3FAD] =	sst s10  }
0x35: {  	s10 =	sld [smem:$0x3FAC];
	_ =	sdelay $0x3  }
0x36: {  	p1 =	seq.s32 s10, $0x1;
	s10 =	sld [smem:$0x3FAD];
	_ =	sdelay $0x3  }
0x37: {  	[smem:$0x3FAD] =	sst s10  }
0x38: {  	s10 =	sld [smem:$0x3FAE]  }
0x39: {  	_ = 	snop;
	(pc) =	sbr.ind lr, $3  }
0x3a: {  	_ = 	snop  }
0x3b: {  	_ = 	snop  }
0x3c: {  	p2 =	seq.s32 s10, $0x1;
	s10 =	sld [smem:$0x3FAD]  }
0x3d: {  	_ =	shalt  }
0x3e: {  	_ =	shalt  }
0x3f: {  	_ =	shalt  }
0x40: {  	_ =	shalt  }
0x41: {  	_ =	shalt  }
0x42: {  	_ =	shalt  }
0x43: {  	_ =	shalt  }
0x44: {  	_ =	shalt  }
0x45: {  	_ =	shalt  }
0x46: {  	_ =	shalt  }
0x47: {  	_ =	shalt  }
0x48: {  	_ =	shalt  }
0x49: {  	_ =	shalt  }
0x4a: {  	_ =	shalt  }
0x4b: {  	_ =	shalt  }
0x4c: {  	_ =	shalt  }
0x4d: {  	_ =	shalt  }
0x4e: {  	_ =	shalt  }
0x4f: {  	_ =	shalt  }
0x50: {  	_ =	shalt  }
0x51: {  	_ =	shalt  }
0x52: {  	_ =	shalt  }
0x53: {  	_ =	shalt  }
0x54: {  	_ =	shalt  }
0x55: {  	_ =	shalt  }
0x56: {  	_ =	shalt  }
0x57: {  	_ =	shalt  }
0x58: {  	_ =	shalt  }
0x59: {  	_ =	shalt  }
0x5a: {  	_ =	shalt  }
0x5b: {  	_ =	shalt  }
0x5c: {  	_ =	shalt  }
0x5d: {  	_ =	shalt  }
0x5e: {  	_ =	shalt  }
0x5f: {  	_ =	shalt  }
0x60: {  	_ =	shalt  }
0x61: {  	_ =	shalt  }
0x62: {  	_ =	shalt  }
0x63: {  	_ =	shalt  }
0x64: {  	_ =	shalt  }
0x65: {  	_ =	shalt  }
0x66: {  	_ =	shalt  }
0x67: {  	_ =	shalt  }
0x68: {  	_ =	shalt  }
0x69: {  	_ =	shalt  }
0x6a: {  	_ =	shalt  }
0x6b: {  	_ =	shalt  }
0x6c: {  	_ =	shalt  }
0x6d: {  	_ =	shalt  }
0x6e: {  	_ =	shalt  }
0x6f: {  	_ =	shalt  }
0x70: {  	_ =	shalt  }
0x71: {  	_ =	shalt  }
0x72: {  	_ =	shalt  }
0x73: {  	_ =	shalt  }
0x74: {  	_ =	shalt  }
0x75: {  	_ =	shalt  }
0x76: {  	_ =	shalt  }
0x77: {  	_ =	shalt  }
0x78: {  	_ =	shalt  }
0x79: {  	_ =	shalt  }
0x7a: {  	_ =	shalt  }
0x7b: {  	_ =	shalt  }
0x7c: {  	_ =	shalt  }
0x7d: {  	_ =	shalt  }
0x7e: {  	_ =	shalt  }
0x7f: {  	_ =	shalt  }
0x80: {  	_ =	shalt  }
0x81: {  	_ =	shalt  }
0x82: {  	_ =	shalt  }
0x83: {  	_ =	shalt  }
0x84: {  	_ =	shalt  }
0x85: {  	_ =	shalt  }
0x86: {  	_ =	shalt  }
0x87: {  	_ =	shalt  }
.Lfunc_end0:
.L_simem_size_0:
called_computation_lowered:
.L_overlay_start_0:
0x88: {  	s2 =	sld [smem:$0x3FD9]  }
0x89: {  	s3 =	sld [smem:$0x3FFE];
	_ =	sdelay $0x1  }
0x8a: {  	s1 =	srdreg.scid  }
0x8b: {  	s0 =	sand.u32 $0x1, s1  }
0x8c: {  	s17 =	sshll.u32 s0, $0xA;
	s2 =	sadd.s32 s3, s2  }
0x8d: {  	s2 =	sadd.s32 s2, s17  }
0x8e: {  	[smem:$0x3FB9] =	sst s2  }
0x8f: {  	_ = 	snop  }
0x90: {  	s2 =	sld [smem:$0x3FD0];
	(tm) =	ssettm $0x1  }
0x91: {  	s18 =	sld [smem:$0x3FFB];
	_ =	sdelay $0x3  }
0x92: {  	_ =	strace s18  }
0x93: {  	s3 =	sld [smem:$0x3FFC];
	_ =	sdelay $0x3  }
0x94: {  	_ =	strace s3  }
0x95: {  	s3 =	sld [smem:$0x3FFD];
	_ =	sdelay $0x3  }
0x96: {  	_ =	strace s3  }
0x97: {  	_ =	strace $0x8FFFFFFF  }
0x98: {  	s19 =	sld [smem:$0x3FDB];
	_ =	sdelay $0x1  }
0x99: {  	s4 =	simm.s32 $_scs_section_size  }
0x9a: {  	s5 =	simm.s32 $_size__tile_overlayer_lowered;
	s6 =	simm.s32 $_tile_overlayer_lowered  }
0x9b: {  	s22 =	simm.s32 $0x1BFF;
	s21 =	sshll.u32 s6, $0x1;
	s3 =	sadd.s32 s4, s19  }
0x9c: {  	s7 =	simm.s32 $0x0;
	s20 =	sshll.u32 s5, $0x1;
	s5 =	sadd.s32 s21, s3  }
0x9d: {  	[timem:s7], [sflag:s22] =	dma.local [hbm:s5], s20  }
0x9e: {  	_ =	swait.ge [sflag:s22], s20  }
0x9f: {  	s4 =	ssub.s32 $0x0, s20;
	[sflag:s22] =	ssyncset.done $0x0  }
0xa0: {  	[sflag:s22] =	ssyncadd.s32 s4;
	_ =	sdelay $0x1  }
0xa1: {  	s23 =	simm.s32 $0x1B8B  }
0xa2: {  	_ =	swait.ge [sflag:s23], $0x1  }
0xa3: {  	[sflag:s23] =	ssyncset.done $0x0  }
0xa4: {  	s25 =	simm.s32 $0x1B8E;
	s24 =	sld [smem:$0x3FFE];
	[sflag:s23] =	ssyncadd.s32 $0xFFFFFFFF  }
0xa5: {  	s26 =	simm.s32 $execute0_lowered;
	[smem:$0x3FD2] =	sst s25  }
0xa6: {  	s5 =	sshll.u32 s26, $0x1;
	_ =	strace $0x80000046;
	[dreg:$0x1] =	wrdreg $0xFFFFFFFF  }
0xa7: {  	s28 =	simm.s32 $_size_execute0_lowered;
	s3 =	sadd.s32 s3, s5;
	[dreg:$0x0] =	wrdreg $0x0  }
0xa8: {  	s5 =	sshll.u32 s28, $0x1;
	[dreg:$0x2] =	wrdreg s3  }
0xa9: {  	[dreg:$0x3] =	wrdreg s5  }
0xaa: {  	[dreg:$0x4] =	wrdreg $0xC0  }
0xab: {  	_ =	task [dreg:s7], $0x5FFFF  }
0xac: {  	[dreg:$0x1] =	wrdreg $0xFFFFFFFF  }
0xad: {  	[dreg:$0x0] =	wrdreg $0x60  }
0xae: {  	[dreg:$0x2] =	wrdreg s2  }
0xaf: {  	[dreg:$0x3] =	wrdreg s24  }
0xb0: {  	[dreg:$0x4] =	wrdreg $0x9  }
0xb1: {  	_ =	task.clear_ibuf [dreg:s7], $0x5FFFF;
	_ =	strace $0x90000046  }
0xb2: {  	s29 =	simm.s32 $0x9;
	_ =	strace $0x80000048  }
0xb3: {  	_ =	swait.ge [sflag:s29], $0x1  }
0xb4: {  	[sflag:s29] =	ssyncadd.s32 $0xFFFFFFFF  }
0xb5: {  	_ =	strace $0x90000048  }
0xb6: {  	_ =	sfence  }
0xb7: {  	s30 =	sld [smem:$0x0];
	_ =	sdelay $0x2  }
0xb8: {  	s31 =	sshll.u32 s1, $0xD;
	s1 =	sshrl.u32 s1, $0x2  }
0xb9: {  	s3 =	sand.u32 $0x4000, s31;
	s1 =	sadd.s32 s1, s30  }
0xba: {  	s0 =	sor.u32 s3, s0;
	s1 =	sshll.u32 s1, $0x11  }
0xbb: {  	s0 =	sor.u32 s1, s0  }
0xbc: {  	s0 =	sadd.s32 $0x8F2B, s0  }
0xbd: {  	[sflag:s0] =	ssyncadd.remote.s32 $0x1  }
0xbe: {  	_ =	sfence.sel $0xFFFF  }
0xbf: {  	[dreg:$0x0] =	wrdreg $0xFFFFFFFF;
	(pc) =	sbr.abs _section_cstart, $3  }
0xc0: {  	[dreg:$0x1] =	wrdreg $0xFFFFFFFF  }
0xc1: {  	_ =	task.clear_ibuf [dreg:s7], $0x2FFFF;
	_ =	strace $0x9FFFFFFF  }
0xc2: {  	(tm) =	ssettm $0x7FFFFFFF  }
0xc3: {  	_ =	shalt  }
tec
execute0_lowered:
.L_overlay_start_1:
0x0: {  	(tag) =	ssettag $0x1  }
0x1: {  	s1 =	rddreg [dreg:$0x0]  }
0x2: {  	s10 =	rddreg [dreg:$0x1]  }
0x3: {  	s0 =	rddreg [dreg:$0x2];
	s2 =	simm.s32 $0x0;
	s6 =	srdreg.scid  }
0x4: {  	s14 =	simm.s32 $0x3;
	s15 =	simm.s32 $0xA080;
	s16 =	simm.s32 $0x80  }
0x5: {  	s17 =	simm.s32 $0x4080;
	s18 =	simm.s32 $0xC080;
	s19 =	simm.s32 $0x1  }
0x6: {  	s20 =	simm.s32 $0x2;
	s21 =	simm.s32 $0x0;
	[smem:$0x7FF] =	sst s2  }
0x7: {  	s3 =	sadd.s32 $0xB200, s10;
	s4 =	sadd.s32 $0x2A00, s10;
	s5 =	sadd.s32 $0x2E00, s10  }
0x8: {  	s11 =	sand.u32 $0x1, s6;
	s7 =	sadd.s32 $0x3200, s10;
	s8 =	sadd.s32 $0x33200, s10  }
0x9: {  	s9 =	sadd.s32 $0x433200, s10;
	s6 =	stileid.u32;
	s12 =	ssub.s32 $0x2, s11  }
0xa: {  	s10 =	sadd.s32 $0x2B200, s10;
	_ =	strace $0x80000047;
	s13 =	sshrl.u32 s12, $0x1  }
0xb: {  	s31 =	sshll.u32 s6, $0xE;
	s11 =	sshll.u32 s11, $0xD;
	s12 =	ssub.s32 s12, s13  }
0xc: {  	s11 =	sor.u32 s11, s31;
	s13 =	simm.s32 $0x8080;
	s12 =	smax.u32 s12, $0x1  }
.LBB2_1:
0xd: {  	[tilespmem:s13], [sflag:$0x3] =	stream.linear.gather [hbm4b:s4+s2], $0x2000, $0x38;
	[tilespmem:$0xC100] =	vst v63  }
0xe: {  	_ =	swait.ge [sflag:s14], $0x2000  }
0xf: {  	[sflag:s14] =	ssyncset.done $0x0  }
0x10: {  	[sflag:s14] =	ssyncadd.s32 $0xFFFFE000  }
0x11: {  	[tilespmem:s15], [sflag:$0x3] =	stream.linear.gather [hbm4b:s5+s2], $0x2000, $0x38;
	[tilespmem:$0xC100] =	vst v63  }
0x12: {  	_ =	swait.ge [sflag:s14], $0x2000  }
0x13: {  	[sflag:s14] =	ssyncset.done $0x0  }
0x14: {  	s22 =	smov.u32 s11;
	s23 =	simm.s32 $0x0;
	[sflag:s14] =	ssyncadd.s32 $0xFFFFE000  }
.LBB2_2:
0x15: {  	s24 =	sshll.u32 s23, $0x7  }
0x16: {  	s24 =	sadd.s32 s11, s24  }
0x17: {  	s25 =	sshrl.u32 s24, $0x3  }
0x18: {  	s28 =	simm.s32 $0x0;
	s26 =	sadd.s32 s7, s25  }
0x19: {  	[tilespmem:s28], [sflag:$0x3] =	stream.linear.gather [hbm4b:s26+s28], $0x80, $0x38;
	[tilespmem:$0xC100] =	vst v63  }
0x1a: {  	_ =	swait.ge [sflag:s14], $0x80  }
0x1b: {  	[sflag:s14] =	ssyncset.done $0x0  }
0x1c: {  	[sflag:s14] =	ssyncadd.s32 $0xFFFFFF80  }
0x1d: {  	[tilespmem:s16], [sflag:$0x1] =	stream.indirect.gather [hbm4b:s1+s16], $0x80, s28, s16, $0xb8;
	[tilespmem:$0xC100] =	vst v63  }
0x1e: {  	v0 =	vmov s22;
	s26 =	simm.s32 $0x0  }
0x1f: {  	v0 =	vshrl.u32 v0, $0x5;
	[tilespmem:s17], [sflag:$0x2] =	stream.indirect.gather [hbm4b:s3+s16], $0x80, s28, s16, $0xb8;
	[tilespmem:$0xC100] =	vst v63  }
0x20: {  	v0 =	vbroadcast v0, $0x0;
	v1 =	vld [tilespmem:s26+$0x0];
	_ =	sdelay $0x5  }
0x21: {  	v2 =	vld.idx.msk [tilespmem:v0+s13+$0x0], $0xffff  }
0x22: {  	v4 =	vld.idx.msk [tilespmem:v0+s15+$0x0], $0xffff  }
0x23: {  	v3 =	vld.idx.msk [tilespmem:v1+s13+$0x0], $0xffff  }
0x24: {  	v1 =	vld.idx.msk [tilespmem:v1+s15+$0x0], $0xffff;
	_ =	sdelay $0x2  }
0x25: {  	s28 =	sadd.s32 $0x10, s22  }
0x26: {  	s29 =	simm.s32 $0x10;
	v0 =	vmov s28  }
0x27: {  	v5 =	vshrl.u32 v0, $0x5;
	v0 =	vld [tilespmem:s29+$0x0];
	v2 =	vsub.f32 v2, v3;
	v3 =	vsub.f32 v4, v1  }
0x28: {  	s30 =	simm.s32 $0x80;
	v1 =	vbroadcast v5, $0x0  }
.LBB2_3:
0x29: {  	p0 =	sne.s32 s30, $0x1C0;
	v2 =	vmul.f32 v2, v2;
	v3 =	vmul.f32 v3, v3;
	_ =	sdelay $0x1  }
0x2a: {  	v2 =	vadd.f32 v3, v2;
	_ =	sdelay $0x1  }
0x2b: {  	[tilespmem:s26+$0xC080] =	vst v2;
	s26 =	smov.u32 s29  }
0x2c: {  	v2 =	vld.idx.msk [tilespmem:v1+s13+$0x0], $0xffff  }
0x2d: {  	v3 =	vld.idx.msk [tilespmem:v0+s13+$0x0], $0xffff  }
0x2e: {  	v4 =	vld.idx.msk [tilespmem:v0+s15+$0x0], $0xffff  }
0x2f: {  	v1 =	vld.idx.msk [tilespmem:v1+s15+$0x0], $0xffff;
	_ =	sdelay $0x2  }
.Ltmp0:
0x30: {  	(pc) =	sbr.rel @p0 .LBB2_3-.Ltmp0, $4  }
0x31: {  	s28 =	sadd.s32 $0x10, s28  }
0x32: {  	v5 =	vmov s28;
	s29 =	sshra.s32 s30, $0x2  }
0x33: {  	v5 =	vshrl.u32 v5, $0x5;
	v2 =	vsub.f32 v2, v3;
	v3 =	vsub.f32 v1, v4;
	v0 =	vld [tilespmem:s29+$0x0]  }
0x34: {  	s30 =	sadd.s32 $0x40, s30;
	v1 =	vbroadcast v5, $0x0  }
0x35: {  	_ = 	snop  }
0x36: {  	v2 =	vmul.f32 v2, v2;
	v3 =	vmul.f32 v3, v3;
	_ =	sdelay $0x1  }
0x37: {  	v2 =	vadd.f32 v3, v2;
	_ =	sdelay $0x1  }
0x38: {  	[tilespmem:s26+$0xC080] =	vst v2  }
0x39: {  	v2 =	vld.idx.msk [tilespmem:v1+s13+$0x0], $0xffff  }
0x3a: {  	v60 =	vld.idx.msk [tilespmem:v0+s13+$0x0], $0xffff  }
0x3b: {  	v61 =	vld.idx.msk [tilespmem:v0+s15+$0x0], $0xffff  }
0x3c: {  	v62 =	vld.idx.msk [tilespmem:v1+s15+$0x0], $0xffff;
	_ =	sdelay $0x4  }
0x3d: {  	v2 =	vsub.f32 v2, v60;
	v0 =	vsub.f32 v62, v61;
	_ =	sdelay $0x1  }
0x3e: {  	v63 =	vmul.f32 v2, v2;
	v0 =	vmul.f32 v0, v0;
	_ =	sdelay $0x1  }
0x3f: {  	v0 =	vadd.f32 v0, v63;
	_ =	sdelay $0x1  }
0x40: {  	s25 =	sadd.s32 s10, s25;
	[tilespmem:s29+$0xC080] =	vst v0  }
0x41: {  	[hbm4b:s25+s2] =	stream.linear.scatter [tilespmem:s18], [sflag:$0x3], $0x80, $0x38;
	[tilespmem:$0xC100] =	vst v63  }
0x42: {  	_ =	swait.ge [sflag:s14], $0x80  }
0x43: {  	[sflag:s14] =	ssyncset.done $0x0  }
0x44: {  	[sflag:s14] =	ssyncadd.s32 $0xFFFFFF80  }
0x45: {  	_ =	swait.ge [sflag:s19], $0x4000  }
0x46: {  	[sflag:s19] =	ssyncset.done $0x0  }
0x47: {  	[sflag:s19] =	ssyncadd.s32 $0xFFFFC000  }
0x48: {  	_ =	swait.ge [sflag:s20], $0x4000  }
0x49: {  	s24 =	sshll.u32 s24, $0x4;
	[sflag:s20] =	ssyncset.done $0x0  }
0x4a: {  	s31 =	sadd.s32 s8, s24;
	[sflag:s20] =	ssyncadd.s32 $0xFFFFC000  }
0x4b: {  	[hbm4b:s31+s2] =	stream.linear.scatter [tilespmem:s16], [sflag:$0x3], $0x4000, $0x38;
	[tilespmem:$0xC100] =	vst v63  }
0x4c: {  	s23 =	sadd.s32 $0x1, s23;
	_ =	swait.ge [sflag:s14], $0x4000  }
0x4d: {  	p0 =	sne.s32 s23, $0x40;
	[sflag:s14] =	ssyncset.done $0x0  }
.Ltmp1:
0x4e: {  	s24 =	sadd.s32 s9, s24;
	[sflag:s14] =	ssyncadd.s32 $0xFFFFC000;
	(pc) =	sbr.rel @p0 .LBB2_2-.Ltmp1, $4  }
0x4f: {  	[hbm4b:s24+s2] =	stream.linear.scatter [tilespmem:s17], [sflag:$0x3], $0x4000, $0x38;
	[tilespmem:$0xC100] =	vst v63  }
0x50: {  	_ =	swait.ge [sflag:s14], $0x4000  }
0x51: {  	[sflag:s14] =	ssyncset.done $0x0  }
0x52: {  	s22 =	sadd.s32 $0x80, s22;
	[sflag:s14] =	ssyncadd.s32 $0xFFFFC000  }
0x53: {  	s21 =	sadd.s32 $0x1, s21  }
0x54: {  	p0 =	sne.s32 s21, s12  }
.Ltmp2:
0x55: {  	_ = 	snop;
	(pc) =	sbr.rel @p0 .LBB2_1-.Ltmp2, $1  }
0x56: {  	_ =	sdelay $0x3  }
0x57: {  	_ =	sfence.sel $0x180000  }
0x58: {  	[bflag:$0x0] =	sbarrier.arrive $0xFFFF  }
0x59: {  	p0 =	sne.s32 s6, $0x0;
	_ =	strace $0x90000047  }
0x5a: {  	s0 =	sadd.s32 @!p0 $0x100000, s0;
	[bflag:$0x2] =	sbarrier.arrive $0xFFFF  }
0x5b: {  	[sflag:s0] =	ssyncadd.tile.s32 @!p0 $0x1;
	_ =	shalt  }
.Lfunc_end2:
_tile_overlayer_lowered:
.L_overlay_start_2:
0x5c: {  	(tag) =	ssettag $0x2  }
0x5d: {  	s0 =	rddreg [dreg:$0x0];
	s2 =	stileid.u32  }
0x5e: {  	s1 =	rddreg [dreg:$0x1];
	p0 =	sne.s32 s2, $0x0  }
0x5f: {  	s3 =	rddreg [dreg:$0x2];
	[bflag:$0x3] =	sbarrier.arrive $0xFFFF;
	s2 =	simm.s32 @!p0 $0x1C03  }
0x60: {  	[timem:s3], [sflag:s2] =	dma.local @!p0 [hbm:s0], s1  }
0x61: {  	s0 =	simm.s32 @!p0 $0x3  }
0x62: {  	_ =	swait.ge @!p0 [sflag:s0], s1  }
0x63: {  	s1 =	ssub.s32 @!p0 $0x0, s1;
	[sflag:s0] =	ssyncset.done @!p0 $0x0  }
0x64: {  	[sflag:s0] =	ssyncadd.s32 @!p0 s1  }
0x65: {  	[bflag:$0x3] =	sbarrier.arrive $0xFFFF  }
0x66: {  	_ =	shalt  }

</sc_bundles>
